<compile_context>
chip_gen: v7x
topology: tpu7x:2x2x1
jax: 0.10.2.dev20260603
libtpu: 0.0.44.dev20260713+nightly
codegen_flags: <defaults>
</compile_context>

<pallas_src>
import functools

import jax
import jax.numpy as jnp
from jax import lax
from jax.experimental import pallas as pl
from jax.experimental.pallas import tpu as pltpu
from jax.experimental.pallas import tpu_sc as plsc

_D = 128
_NW = 32
_CHUNK = 128
_NBUF = 5
_GAHEAD = 2
_OAHEAD = 3


@functools.partial(jax.jit, static_argnames=("n_chunks",))
def _gather_rows(idx, table, n_chunks):
    mesh = plsc.VectorSubcoreMesh(core_axis_name="c", subcore_axis_name="s")

    @functools.partial(
        pl.kernel,
        mesh=mesh,
        out_type=jax.ShapeDtypeStruct((_NW * n_chunks * _CHUNK, _D), jnp.float32),
        scratch_types=[
            pltpu.VMEM((n_chunks, _CHUNK), jnp.int32),
            pltpu.VMEM((_NBUF, _CHUNK, _D), jnp.float32),
            pltpu.SemaphoreType.DMA,
            pltpu.SemaphoreType.DMA,
        ],
    )
    def k(idx_hbm, table_hbm, out_hbm, idx_v, rows_v, gsem, osem):
        wid = lax.axis_index("s") * 2 + lax.axis_index("c")
        base = wid * (n_chunks * _CHUNK)
        pltpu.sync_copy(idx_hbm.at[wid], idx_v)

        def gather_start(j, b):
            pltpu.make_async_copy(
                table_hbm.at[idx_v.at[j]], rows_v.at[b], gsem
            ).start()

        def gather_wait(j, b):
            pltpu.make_async_copy(
                table_hbm.at[idx_v.at[j]], rows_v.at[b], gsem
            ).wait()

        def out_start(j, b):
            pltpu.make_async_copy(
                rows_v.at[b], out_hbm.at[pl.ds(base + j * _CHUNK, _CHUNK)], osem
            ).start()

        def out_wait(j, b):
            pltpu.make_async_copy(
                rows_v.at[b], out_hbm.at[pl.ds(base + j * _CHUNK, _CHUNK)], osem
            ).wait()

        for j in range(_GAHEAD):
            gather_start(j, j % _NBUF)

        def body(i, _):
            jj = i * _NBUF
            for b in range(_NBUF):
                j = jj + b
                @pl.when(j >= _OAHEAD)
                def _():
                    out_wait(j - _OAHEAD, (b - _OAHEAD) % _NBUF)

                @pl.when(j + _GAHEAD < n_chunks)
                def _():
                    gather_start(j + _GAHEAD, (b + _GAHEAD) % _NBUF)

                gather_wait(j, b)
                out_start(j, b)
            return 0

        lax.fori_loop(0, n_chunks // _NBUF, body, 0)
        for j in range(n_chunks - _OAHEAD, n_chunks):
            out_wait(j, j % _NBUF)

    return k(idx, table)


def kernel(x, table):
    n_total = x.shape[0] * x.shape[1]
    per_w = n_total // _NW
    n_chunks = per_w // _CHUNK
    idx = x.reshape(_NW, n_chunks, _CHUNK).astype(jnp.int32)
    out = _gather_rows(idx, table, n_chunks)
    return out.reshape(x.shape[0], x.shape[1], _D)

# --- scband reference (transcript-rebuilt; emitter-appended) ---
"""Pipeline reference for scband-embedding-17394617549333 (READ-ONLY COPY).

The authoritative reference and input builder live on the scoring server;
editing this copy changes nothing except your own understanding.
"""

import jax, jax.numpy as jnp
import numpy as np

NUM_VOCAB = 100000
EMBED_DIM = 128
DROPOUT = 0.0  # p=0.0 -> dropout is identity


def setup_inputs(seed: int = 0) -> dict:
    key = jax.random.key(seed)
    k_idx, k_tab = jax.random.split(key)
    x = jax.random.randint(k_idx, (1024, 200), 0, NUM_VOCAB, dtype=jnp.int64 if jax.config.read('jax_enable_x64') else jnp.int32)
    table = jax.random.normal(k_tab, (NUM_VOCAB, EMBED_DIM), dtype=jnp.float32)
    # nn.Embedding(padding_idx=0) zeros the padding row at init
    table = table.at[0].set(0.0)
    return {"x": x, "table": table}


def reference(x, table):
    # Faithful translation of forward: embedding lookup (gather rows) then
    # f.dropout with p=0.0, which is the identity.
    out = jnp.take(table, x, axis=0)
    return out

if __name__ == "__main__":
    import jax
    _d = setup_inputs()
    print(jax.jit(kernel)(*tuple(_d.values())))

</pallas_src>

<mosaic_0001>
#map = affine_map<(d0, d1) -> (0, 0, 0)>
#map1 = affine_map<(d0, d1) -> (0, 0)>
module attributes {stable_mosaic.version = 14 : i64} {
  func.func @k(%arg0: i32, %arg1: i32, %arg2: memref<32x50x128xi32, #tpu.memory_space<hbm>>, %arg3: memref<100000x128xf32, #tpu.memory_space<hbm>>, %arg4: memref<204800x128xf32, #tpu.memory_space<hbm>>, %arg5: memref<50x128xi32, #tpu.memory_space<vmem>>, %arg6: memref<5x128x128xf32, #tpu.memory_space<vmem>>, %arg7: memref<!tpu.dma_semaphore, #tpu.memory_space<semaphore_mem>>, %arg8: memref<!tpu.dma_semaphore, #tpu.memory_space<semaphore_mem>>) attributes {dimension_semantics = [#tpu.dimension_semantics<core_parallel>, #tpu.dimension_semantics<subcore_parallel>], iteration_bounds = array<i64: 2, 16>, scalar_prefetch = 0 : i64, scratch_operands = 4 : i64, tpu.core_type = #tpu.core_type<sc_vector_subcore>, window_params = [{transform_indices = #map}, {transform_indices = #map1}, {transform_indices = #map1}]} {
    %mul3A = arith.constant 2 : i32
    %mul3A_0 = arith.muli %arg1, %mul3A : i32
    %add3A = arith.addi %mul3A_0, %arg0 : i32
    %mul3A_1 = arith.constant 6400 : i32
    %mul3A_2 = arith.muli %add3A, %mul3A_1 : i32
    "tpu.region"() ({
      %run_scoped3A = tpu.sem_alloc : memref<!tpu.dma_semaphore, #tpu.memory_space<semaphore_mem>>
      %dma_start3A_76 = arith.constant 0 : i32
      %dma_start3A_77 = arith.constant 0 : i32
      %dma_start3A_78 = tpu.memref_slice %arg2[%add3A, %dma_start3A_76, %dma_start3A_77] : memref<32x50x128xi32, #tpu.memory_space<hbm>> -> memref<1x50x128xi32, #tpu.memory_space<hbm>>
      %dma_start3A_79 = tpu.memref_squeeze %dma_start3A_78 : memref<1x50x128xi32, #tpu.memory_space<hbm>> -> memref<50x128xi32, #tpu.memory_space<hbm>>
      %dma_start3A_80 = arith.constant 0 : i32
      %dma_start3A_81 = arith.constant 0 : i32
      %dma_start3A_82 = tpu.memref_slice %arg2[%add3A, %dma_start3A_80, %dma_start3A_81] : memref<32x50x128xi32, #tpu.memory_space<hbm>> -> memref<1x50x128xi32, #tpu.memory_space<hbm>>
      %dma_start3A_83 = tpu.memref_squeeze %dma_start3A_82 : memref<1x50x128xi32, #tpu.memory_space<hbm>> -> memref<50x128xi32, #tpu.memory_space<hbm>>
      tpu.enqueue_dma source(%dma_start3A_83 : memref<50x128xi32, #tpu.memory_space<hbm>>) target(%arg5 : memref<50x128xi32, #tpu.memory_space<vmem>>) target_semaphore(%run_scoped3A : memref<!tpu.dma_semaphore, #tpu.memory_space<semaphore_mem>>)
      %dma_wait3A_84 = arith.constant 0 : i32
      %dma_wait3A_85 = arith.constant 0 : i32
      %dma_wait3A_86 = tpu.memref_slice %arg2[%add3A, %dma_wait3A_84, %dma_wait3A_85] : memref<32x50x128xi32, #tpu.memory_space<hbm>> -> memref<1x50x128xi32, #tpu.memory_space<hbm>>
      %dma_wait3A_87 = tpu.memref_squeeze %dma_wait3A_86 : memref<1x50x128xi32, #tpu.memory_space<hbm>> -> memref<50x128xi32, #tpu.memory_space<hbm>>
      %dma_wait3A_88 = arith.constant 0 : i32
      %dma_wait3A_89 = arith.constant 0 : i32
      %dma_wait3A_90 = tpu.memref_slice %arg2[%add3A, %dma_wait3A_88, %dma_wait3A_89] : memref<32x50x128xi32, #tpu.memory_space<hbm>> -> memref<1x50x128xi32, #tpu.memory_space<hbm>>
      %dma_wait3A_91 = tpu.memref_squeeze %dma_wait3A_90 : memref<1x50x128xi32, #tpu.memory_space<hbm>> -> memref<50x128xi32, #tpu.memory_space<hbm>>
      tpu.wait_dma2 semaphore(%run_scoped3A : memref<!tpu.dma_semaphore, #tpu.memory_space<semaphore_mem>>) src(%dma_wait3A_91 : memref<50x128xi32, #tpu.memory_space<hbm>>) dst(%arg5 : memref<50x128xi32, #tpu.memory_space<vmem>>)
      tpu.yield
    }) : () -> ()
    %dma_start3A = arith.constant 0 : i32
    %dma_start3A_3 = arith.constant 0 : i32
    %dma_start3A_4 = arith.constant 0 : i32
    %dma_start3A_5 = arith.constant 0 : i32
    %dma_start3A_6 = tpu.memref_slice %arg6[%dma_start3A_3, %dma_start3A_4, %dma_start3A_5] : memref<5x128x128xf32, #tpu.memory_space<vmem>> -> memref<1x128x128xf32, #tpu.memory_space<vmem>>
    %dma_start3A_7 = tpu.memref_squeeze %dma_start3A_6 : memref<1x128x128xf32, #tpu.memory_space<vmem>> -> memref<128x128xf32, #tpu.memory_space<vmem>>
    %dma_start3A_8 = arith.constant 0 : i32
    %dma_start3A_9 = tpu.memref_slice %arg5[%dma_start3A, %dma_start3A_8] : memref<50x128xi32, #tpu.memory_space<vmem>> -> memref<1x128xi32, #tpu.memory_space<vmem>>
    %dma_start3A_10 = tpu.memref_squeeze %dma_start3A_9 : memref<1x128xi32, #tpu.memory_space<vmem>> -> memref<128xi32, #tpu.memory_space<vmem>>
    %dma_start3A_11 = arith.constant 0 : i32
    %dma_start3A_12 = arith.constant 0 : i32
    %dma_start3A_13 = tpu.memref_slice %arg3[%dma_start3A_11, %dma_start3A_12] : memref<100000x128xf32, #tpu.memory_space<hbm>> -> memref<100000x128xf32, #tpu.memory_space<hbm>>
    tpu.enqueue_indirect_dma source(%dma_start3A_13 : memref<100000x128xf32, #tpu.memory_space<hbm>>) target(%dma_start3A_7 : memref<128x128xf32, #tpu.memory_space<vmem>>) offsets(%dma_start3A_10 : memref<128xi32, #tpu.memory_space<vmem>>) semaphore(%arg7 : memref<!tpu.dma_semaphore, #tpu.memory_space<semaphore_mem>>)
    %dma_start3A_14 = arith.constant 1 : i32
    %dma_start3A_15 = arith.constant 1 : i32
    %dma_start3A_16 = arith.constant 0 : i32
    %dma_start3A_17 = arith.constant 0 : i32
    %dma_start3A_18 = tpu.memref_slice %arg6[%dma_start3A_15, %dma_start3A_16, %dma_start3A_17] : memref<5x128x128xf32, #tpu.memory_space<vmem>> -> memref<1x128x128xf32, #tpu.memory_space<vmem>>
    %dma_start3A_19 = tpu.memref_squeeze %dma_start3A_18 : memref<1x128x128xf32, #tpu.memory_space<vmem>> -> memref<128x128xf32, #tpu.memory_space<vmem>>
    %dma_start3A_20 = arith.constant 0 : i32
    %dma_start3A_21 = tpu.memref_slice %arg5[%dma_start3A_14, %dma_start3A_20] : memref<50x128xi32, #tpu.memory_space<vmem>> -> memref<1x128xi32, #tpu.memory_space<vmem>>
    %dma_start3A_22 = tpu.memref_squeeze %dma_start3A_21 : memref<1x128xi32, #tpu.memory_space<vmem>> -> memref<128xi32, #tpu.memory_space<vmem>>
    %dma_start3A_23 = arith.constant 0 : i32
    %dma_start3A_24 = arith.constant 0 : i32
    %dma_start3A_25 = tpu.memref_slice %arg3[%dma_start3A_23, %dma_start3A_24] : memref<100000x128xf32, #tpu.memory_space<hbm>> -> memref<100000x128xf32, #tpu.memory_space<hbm>>
    tpu.enqueue_indirect_dma source(%dma_start3A_25 : memref<100000x128xf32, #tpu.memory_space<hbm>>) target(%dma_start3A_19 : memref<128x128xf32, #tpu.memory_space<vmem>>) offsets(%dma_start3A_22 : memref<128xi32, #tpu.memory_space<vmem>>) semaphore(%arg7 : memref<!tpu.dma_semaphore, #tpu.memory_space<semaphore_mem>>)
    %scan3A = arith.constant 0 : i32
    %scan3A_26 = arith.constant 0 : i32
    %scan3A_27 = arith.constant 10 : i32
    %scan3A_28 = arith.addi %scan3A_26, %scan3A_27 : i32
    %scan3A_29 = arith.constant 1 : i32
    %scan3A_30 = scf.for %scan3A_76 = %scan3A_26 to %scan3A_28 step %scan3A_29 iter_args(%scan3A_77 = %scan3A) -> (i32)  : i32 {
      %mul3A_78 = arith.constant 5 : i32
      %mul3A_79 = arith.muli %scan3A_76, %mul3A_78 : i32
      %add3A_80 = arith.constant 0 : i32
      %add3A_81 = arith.addi %mul3A_79, %add3A_80 : i32
      %ge3A = arith.constant 3 : i32
      %ge3A_82 = arith.cmpi sge, %add3A_81, %ge3A : i32
      %convert_element_type3A = arith.extui %ge3A_82 : i1 to i32
      %cond3A = arith.constant 0 : i32
      %cond3A_83 = arith.cmpi ne, %convert_element_type3A, %cond3A : i32
      scf.if %cond3A_83 {
        %sub3A = arith.constant 3 : i32
        %sub3A_282 = arith.subi %add3A_81, %sub3A : i32
        %mul3A_283 = arith.constant 128 : i32
        %mul3A_284 = arith.muli %sub3A_282, %mul3A_283 : i32
        %add3A_285 = arith.addi %mul3A_2, %mul3A_284 : i32
        %dma_wait3A_286 = arith.constant 2 : i32
        %dma_wait3A_287 = arith.constant 0 : i32
        %dma_wait3A_288 = arith.constant 0 : i32
        %dma_wait3A_289 = tpu.memref_slice %arg6[%dma_wait3A_286, %dma_wait3A_287, %dma_wait3A_288] : memref<5x128x128xf32, #tpu.memory_space<vmem>> -> memref<1x128x128xf32, #tpu.memory_space<vmem>>
        %dma_wait3A_290 = tpu.memref_squeeze %dma_wait3A_289 : memref<1x128x128xf32, #tpu.memory_space<vmem>> -> memref<128x128xf32, #tpu.memory_space<vmem>>
        %dma_wait3A_291 = arith.constant 0 : i32
        %dma_wait3A_292 = tpu.memref_slice %arg4[%add3A_285, %dma_wait3A_291] : memref<204800x128xf32, #tpu.memory_space<hbm>> -> memref<128x128xf32, #tpu.memory_space<hbm>>
        %dma_wait3A_293 = arith.constant 0 : i32
        %dma_wait3A_294 = tpu.memref_slice %arg4[%add3A_285, %dma_wait3A_293] : memref<204800x128xf32, #tpu.memory_space<hbm>> -> memref<128x128xf32, #tpu.memory_space<hbm>>
        %dma_wait3A_295 = arith.constant 0 : i32
        %dma_wait3A_296 = arith.constant 0 : i32
        %dma_wait3A_297 = tpu.memref_slice %arg6[%dma_wait3A_286, %dma_wait3A_295, %dma_wait3A_296] : memref<5x128x128xf32, #tpu.memory_space<vmem>> -> memref<1x128x128xf32, #tpu.memory_space<vmem>>
        %dma_wait3A_298 = tpu.memref_squeeze %dma_wait3A_297 : memref<1x128x128xf32, #tpu.memory_space<vmem>> -> memref<128x128xf32, #tpu.memory_space<vmem>>
        tpu.wait_dma2 semaphore(%arg8 : memref<!tpu.dma_semaphore, #tpu.memory_space<semaphore_mem>>) src(%dma_wait3A_298 : memref<128x128xf32, #tpu.memory_space<vmem>>) dst(%dma_wait3A_294 : memref<128x128xf32, #tpu.memory_space<hbm>>)
      } else {
      }
      %add3A_84 = arith.constant 2 : i32
      %add3A_85 = arith.addi %add3A_81, %add3A_84 : i32
      %lt3A = arith.constant 50 : i32
      %lt3A_86 = arith.cmpi slt, %add3A_85, %lt3A : i32
      %convert_element_type3A_87 = arith.extui %lt3A_86 : i1 to i32
      %cond3A_88 = arith.constant 0 : i32
      %cond3A_89 = arith.cmpi ne, %convert_element_type3A_87, %cond3A_88 : i32
      scf.if %cond3A_89 {
        %add3A_282 = arith.constant 2 : i32
        %add3A_283 = arith.addi %add3A_81, %add3A_282 : i32
        %dma_start3A_284 = arith.constant 2 : i32
        %dma_start3A_285 = arith.constant 0 : i32
        %dma_start3A_286 = arith.constant 0 : i32
        %dma_start3A_287 = tpu.memref_slice %arg6[%dma_start3A_284, %dma_start3A_285, %dma_start3A_286] : memref<5x128x128xf32, #tpu.memory_space<vmem>> -> memref<1x128x128xf32, #tpu.memory_space<vmem>>
        %dma_start3A_288 = tpu.memref_squeeze %dma_start3A_287 : memref<1x128x128xf32, #tpu.memory_space<vmem>> -> memref<128x128xf32, #tpu.memory_space<vmem>>
        %dma_start3A_289 = arith.constant 0 : i32
        %dma_start3A_290 = tpu.memref_slice %arg5[%add3A_283, %dma_start3A_289] : memref<50x128xi32, #tpu.memory_space<vmem>> -> memref<1x128xi32, #tpu.memory_space<vmem>>
        %dma_start3A_291 = tpu.memref_squeeze %dma_start3A_290 : memref<1x128xi32, #tpu.memory_space<vmem>> -> memref<128xi32, #tpu.memory_space<vmem>>
        %dma_start3A_292 = arith.constant 0 : i32
        %dma_start3A_293 = arith.constant 0 : i32
        %dma_start3A_294 = tpu.memref_slice %arg3[%dma_start3A_292, %dma_start3A_293] : memref<100000x128xf32, #tpu.memory_space<hbm>> -> memref<100000x128xf32, #tpu.memory_space<hbm>>
        tpu.enqueue_indirect_dma source(%dma_start3A_294 : memref<100000x128xf32, #tpu.memory_space<hbm>>) target(%dma_start3A_288 : memref<128x128xf32, #tpu.memory_space<vmem>>) offsets(%dma_start3A_291 : memref<128xi32, #tpu.memory_space<vmem>>) semaphore(%arg7 : memref<!tpu.dma_semaphore, #tpu.memory_space<semaphore_mem>>)
      } else {
      }
      %dma_wait3A_90 = arith.constant 0 : i32
      %dma_wait3A_91 = arith.constant 0 : i32
      %dma_wait3A_92 = arith.constant 0 : i32
      %dma_wait3A_93 = tpu.memref_slice %arg6[%dma_wait3A_90, %dma_wait3A_91, %dma_wait3A_92] : memref<5x128x128xf32, #tpu.memory_space<vmem>> -> memref<1x128x128xf32, #tpu.memory_space<vmem>>
      %dma_wait3A_94 = tpu.memref_squeeze %dma_wait3A_93 : memref<1x128x128xf32, #tpu.memory_space<vmem>> -> memref<128x128xf32, #tpu.memory_space<vmem>>
      %dma_wait3A_95 = arith.constant 0 : i32
      %dma_wait3A_96 = tpu.memref_slice %arg5[%add3A_81, %dma_wait3A_95] : memref<50x128xi32, #tpu.memory_space<vmem>> -> memref<1x128xi32, #tpu.memory_space<vmem>>
      %dma_wait3A_97 = tpu.memref_squeeze %dma_wait3A_96 : memref<1x128xi32, #tpu.memory_space<vmem>> -> memref<128xi32, #tpu.memory_space<vmem>>
      %dma_wait3A_98 = arith.constant 0 : i32
      %dma_wait3A_99 = arith.constant 0 : i32
      %dma_wait3A_100 = tpu.memref_slice %arg3[%dma_wait3A_98, %dma_wait3A_99] : memref<100000x128xf32, #tpu.memory_space<hbm>> -> memref<100000x128xf32, #tpu.memory_space<hbm>>
      tpu.wait_indirect_dma semaphore(%arg7 : memref<!tpu.dma_semaphore, #tpu.memory_space<semaphore_mem>>) src(%dma_wait3A_100 : memref<100000x128xf32, #tpu.memory_space<hbm>>) dst(%dma_wait3A_94 : memref<128x128xf32, #tpu.memory_space<vmem>>)
      %mul3A_101 = arith.constant 128 : i32
      %mul3A_102 = arith.muli %add3A_81, %mul3A_101 : i32
      %add3A_103 = arith.addi %mul3A_2, %mul3A_102 : i32
      %dma_start3A_104 = arith.constant 0 : i32
      %dma_start3A_105 = arith.constant 0 : i32
      %dma_start3A_106 = arith.constant 0 : i32
      %dma_start3A_107 = tpu.memref_slice %arg6[%dma_start3A_104, %dma_start3A_105, %dma_start3A_106] : memref<5x128x128xf32, #tpu.memory_space<vmem>> -> memref<1x128x128xf32, #tpu.memory_space<vmem>>
      %dma_start3A_108 = tpu.memref_squeeze %dma_start3A_107 : memref<1x128x128xf32, #tpu.memory_space<vmem>> -> memref<128x128xf32, #tpu.memory_space<vmem>>
      %dma_start3A_109 = arith.constant 0 : i32
      %dma_start3A_110 = tpu.memref_slice %arg4[%add3A_103, %dma_start3A_109] : memref<204800x128xf32, #tpu.memory_space<hbm>> -> memref<128x128xf32, #tpu.memory_space<hbm>>
      %dma_start3A_111 = arith.constant 0 : i32
      %dma_start3A_112 = tpu.memref_slice %arg4[%add3A_103, %dma_start3A_111] : memref<204800x128xf32, #tpu.memory_space<hbm>> -> memref<128x128xf32, #tpu.memory_space<hbm>>
      %dma_start3A_113 = arith.constant 0 : i32
      %dma_start3A_114 = arith.constant 0 : i32
      %dma_start3A_115 = tpu.memref_slice %arg6[%dma_start3A_104, %dma_start3A_113, %dma_start3A_114] : memref<5x128x128xf32, #tpu.memory_space<vmem>> -> memref<1x128x128xf32, #tpu.memory_space<vmem>>
      %dma_start3A_116 = tpu.memref_squeeze %dma_start3A_115 : memref<1x128x128xf32, #tpu.memory_space<vmem>> -> memref<128x128xf32, #tpu.memory_space<vmem>>
      tpu.enqueue_dma source(%dma_start3A_116 : memref<128x128xf32, #tpu.memory_space<vmem>>) target(%dma_start3A_112 : memref<128x128xf32, #tpu.memory_space<hbm>>) target_semaphore(%arg8 : memref<!tpu.dma_semaphore, #tpu.memory_space<semaphore_mem>>)
      %add3A_117 = arith.constant 1 : i32
      %add3A_118 = arith.addi %mul3A_79, %add3A_117 : i32
      %ge3A_119 = arith.constant 3 : i32
      %ge3A_120 = arith.cmpi sge, %add3A_118, %ge3A_119 : i32
      %convert_element_type3A_121 = arith.extui %ge3A_120 : i1 to i32
      %cond3A_122 = arith.constant 0 : i32
      %cond3A_123 = arith.cmpi ne, %convert_element_type3A_121, %cond3A_122 : i32
      scf.if %cond3A_123 {
        %sub3A = arith.constant 3 : i32
        %sub3A_282 = arith.subi %add3A_118, %sub3A : i32
        %mul3A_283 = arith.constant 128 : i32
        %mul3A_284 = arith.muli %sub3A_282, %mul3A_283 : i32
        %add3A_285 = arith.addi %mul3A_2, %mul3A_284 : i32
        %dma_wait3A_286 = arith.constant 3 : i32
        %dma_wait3A_287 = arith.constant 0 : i32
        %dma_wait3A_288 = arith.constant 0 : i32
        %dma_wait3A_289 = tpu.memref_slice %arg6[%dma_wait3A_286, %dma_wait3A_287, %dma_wait3A_288] : memref<5x128x128xf32, #tpu.memory_space<vmem>> -> memref<1x128x128xf32, #tpu.memory_space<vmem>>
        %dma_wait3A_290 = tpu.memref_squeeze %dma_wait3A_289 : memref<1x128x128xf32, #tpu.memory_space<vmem>> -> memref<128x128xf32, #tpu.memory_space<vmem>>
        %dma_wait3A_291 = arith.constant 0 : i32
        %dma_wait3A_292 = tpu.memref_slice %arg4[%add3A_285, %dma_wait3A_291] : memref<204800x128xf32, #tpu.memory_space<hbm>> -> memref<128x128xf32, #tpu.memory_space<hbm>>
        %dma_wait3A_293 = arith.constant 0 : i32
        %dma_wait3A_294 = tpu.memref_slice %arg4[%add3A_285, %dma_wait3A_293] : memref<204800x128xf32, #tpu.memory_space<hbm>> -> memref<128x128xf32, #tpu.memory_space<hbm>>
        %dma_wait3A_295 = arith.constant 0 : i32
        %dma_wait3A_296 = arith.constant 0 : i32
        %dma_wait3A_297 = tpu.memref_slice %arg6[%dma_wait3A_286, %dma_wait3A_295, %dma_wait3A_296] : memref<5x128x128xf32, #tpu.memory_space<vmem>> -> memref<1x128x128xf32, #tpu.memory_space<vmem>>
        %dma_wait3A_298 = tpu.memref_squeeze %dma_wait3A_297 : memref<1x128x128xf32, #tpu.memory_space<vmem>> -> memref<128x128xf32, #tpu.memory_space<vmem>>
        tpu.wait_dma2 semaphore(%arg8 : memref<!tpu.dma_semaphore, #tpu.memory_space<semaphore_mem>>) src(%dma_wait3A_298 : memref<128x128xf32, #tpu.memory_space<vmem>>) dst(%dma_wait3A_294 : memref<128x128xf32, #tpu.memory_space<hbm>>)
      } else {
      }
      %add3A_124 = arith.constant 2 : i32
      %add3A_125 = arith.addi %add3A_118, %add3A_124 : i32
      %lt3A_126 = arith.constant 50 : i32
      %lt3A_127 = arith.cmpi slt, %add3A_125, %lt3A_126 : i32
      %convert_element_type3A_128 = arith.extui %lt3A_127 : i1 to i32
      %cond3A_129 = arith.constant 0 : i32
      %cond3A_130 = arith.cmpi ne, %convert_element_type3A_128, %cond3A_129 : i32
      scf.if %cond3A_130 {
        %add3A_282 = arith.constant 2 : i32
        %add3A_283 = arith.addi %add3A_118, %add3A_282 : i32
        %dma_start3A_284 = arith.constant 3 : i32
        %dma_start3A_285 = arith.constant 0 : i32
        %dma_start3A_286 = arith.constant 0 : i32
        %dma_start3A_287 = tpu.memref_slice %arg6[%dma_start3A_284, %dma_start3A_285, %dma_start3A_286] : memref<5x128x128xf32, #tpu.memory_space<vmem>> -> memref<1x128x128xf32, #tpu.memory_space<vmem>>
        %dma_start3A_288 = tpu.memref_squeeze %dma_start3A_287 : memref<1x128x128xf32, #tpu.memory_space<vmem>> -> memref<128x128xf32, #tpu.memory_space<vmem>>
        %dma_start3A_289 = arith.constant 0 : i32
        %dma_start3A_290 = tpu.memref_slice %arg5[%add3A_283, %dma_start3A_289] : memref<50x128xi32, #tpu.memory_space<vmem>> -> memref<1x128xi32, #tpu.memory_space<vmem>>
        %dma_start3A_291 = tpu.memref_squeeze %dma_start3A_290 : memref<1x128xi32, #tpu.memory_space<vmem>> -> memref<128xi32, #tpu.memory_space<vmem>>
        %dma_start3A_292 = arith.constant 0 : i32
        %dma_start3A_293 = arith.constant 0 : i32
        %dma_start3A_294 = tpu.memref_slice %arg3[%dma_start3A_292, %dma_start3A_293] : memref<100000x128xf32, #tpu.memory_space<hbm>> -> memref<100000x128xf32, #tpu.memory_space<hbm>>
        tpu.enqueue_indirect_dma source(%dma_start3A_294 : memref<100000x128xf32, #tpu.memory_space<hbm>>) target(%dma_start3A_288 : memref<128x128xf32, #tpu.memory_space<vmem>>) offsets(%dma_start3A_291 : memref<128xi32, #tpu.memory_space<vmem>>) semaphore(%arg7 : memref<!tpu.dma_semaphore, #tpu.memory_space<semaphore_mem>>)
      } else {
      }
      %dma_wait3A_131 = arith.constant 1 : i32
      %dma_wait3A_132 = arith.constant 0 : i32
      %dma_wait3A_133 = arith.constant 0 : i32
      %dma_wait3A_134 = tpu.memref_slice %arg6[%dma_wait3A_131, %dma_wait3A_132, %dma_wait3A_133] : memref<5x128x128xf32, #tpu.memory_space<vmem>> -> memref<1x128x128xf32, #tpu.memory_space<vmem>>
      %dma_wait3A_135 = tpu.memref_squeeze %dma_wait3A_134 : memref<1x128x128xf32, #tpu.memory_space<vmem>> -> memref<128x128xf32, #tpu.memory_space<vmem>>
      %dma_wait3A_136 = arith.constant 0 : i32
      %dma_wait3A_137 = tpu.memref_slice %arg5[%add3A_118, %dma_wait3A_136] : memref<50x128xi32, #tpu.memory_space<vmem>> -> memref<1x128xi32, #tpu.memory_space<vmem>>
      %dma_wait3A_138 = tpu.memref_squeeze %dma_wait3A_137 : memref<1x128xi32, #tpu.memory_space<vmem>> -> memref<128xi32, #tpu.memory_space<vmem>>
      %dma_wait3A_139 = arith.constant 0 : i32
      %dma_wait3A_140 = arith.constant 0 : i32
      %dma_wait3A_141 = tpu.memref_slice %arg3[%dma_wait3A_139, %dma_wait3A_140] : memref<100000x128xf32, #tpu.memory_space<hbm>> -> memref<100000x128xf32, #tpu.memory_space<hbm>>
      tpu.wait_indirect_dma semaphore(%arg7 : memref<!tpu.dma_semaphore, #tpu.memory_space<semaphore_mem>>) src(%dma_wait3A_141 : memref<100000x128xf32, #tpu.memory_space<hbm>>) dst(%dma_wait3A_135 : memref<128x128xf32, #tpu.memory_space<vmem>>)
      %mul3A_142 = arith.constant 128 : i32
      %mul3A_143 = arith.muli %add3A_118, %mul3A_142 : i32
      %add3A_144 = arith.addi %mul3A_2, %mul3A_143 : i32
      %dma_start3A_145 = arith.constant 1 : i32
      %dma_start3A_146 = arith.constant 0 : i32
      %dma_start3A_147 = arith.constant 0 : i32
      %dma_start3A_148 = tpu.memref_slice %arg6[%dma_start3A_145, %dma_start3A_146, %dma_start3A_147] : memref<5x128x128xf32, #tpu.memory_space<vmem>> -> memref<1x128x128xf32, #tpu.memory_space<vmem>>
      %dma_start3A_149 = tpu.memref_squeeze %dma_start3A_148 : memref<1x128x128xf32, #tpu.memory_space<vmem>> -> memref<128x128xf32, #tpu.memory_space<vmem>>
      %dma_start3A_150 = arith.constant 0 : i32
      %dma_start3A_151 = tpu.memref_slice %arg4[%add3A_144, %dma_start3A_150] : memref<204800x128xf32, #tpu.memory_space<hbm>> -> memref<128x128xf32, #tpu.memory_space<hbm>>
      %dma_start3A_152 = arith.constant 0 : i32
      %dma_start3A_153 = tpu.memref_slice %arg4[%add3A_144, %dma_start3A_152] : memref<204800x128xf32, #tpu.memory_space<hbm>> -> memref<128x128xf32, #tpu.memory_space<hbm>>
      %dma_start3A_154 = arith.constant 0 : i32
      %dma_start3A_155 = arith.constant 0 : i32
      %dma_start3A_156 = tpu.memref_slice %arg6[%dma_start3A_145, %dma_start3A_154, %dma_start3A_155] : memref<5x128x128xf32, #tpu.memory_space<vmem>> -> memref<1x128x128xf32, #tpu.memory_space<vmem>>
      %dma_start3A_157 = tpu.memref_squeeze %dma_start3A_156 : memref<1x128x128xf32, #tpu.memory_space<vmem>> -> memref<128x128xf32, #tpu.memory_space<vmem>>
      tpu.enqueue_dma source(%dma_start3A_157 : memref<128x128xf32, #tpu.memory_space<vmem>>) target(%dma_start3A_153 : memref<128x128xf32, #tpu.memory_space<hbm>>) target_semaphore(%arg8 : memref<!tpu.dma_semaphore, #tpu.memory_space<semaphore_mem>>)
      %add3A_158 = arith.constant 2 : i32
      %add3A_159 = arith.addi %mul3A_79, %add3A_158 : i32
      %ge3A_160 = arith.constant 3 : i32
      %ge3A_161 = arith.cmpi sge, %add3A_159, %ge3A_160 : i32
      %convert_element_type3A_162 = arith.extui %ge3A_161 : i1 to i32
      %cond3A_163 = arith.constant 0 : i32
      %cond3A_164 = arith.cmpi ne, %convert_element_type3A_162, %cond3A_163 : i32
      scf.if %cond3A_164 {
        %sub3A = arith.constant 3 : i32
        %sub3A_282 = arith.subi %add3A_159, %sub3A : i32
        %mul3A_283 = arith.constant 128 : i32
        %mul3A_284 = arith.muli %sub3A_282, %mul3A_283 : i32
        %add3A_285 = arith.addi %mul3A_2, %mul3A_284 : i32
        %dma_wait3A_286 = arith.constant 4 : i32
        %dma_wait3A_287 = arith.constant 0 : i32
        %dma_wait3A_288 = arith.constant 0 : i32
        %dma_wait3A_289 = tpu.memref_slice %arg6[%dma_wait3A_286, %dma_wait3A_287, %dma_wait3A_288] : memref<5x128x128xf32, #tpu.memory_space<vmem>> -> memref<1x128x128xf32, #tpu.memory_space<vmem>>
        %dma_wait3A_290 = tpu.memref_squeeze %dma_wait3A_289 : memref<1x128x128xf32, #tpu.memory_space<vmem>> -> memref<128x128xf32, #tpu.memory_space<vmem>>
        %dma_wait3A_291 = arith.constant 0 : i32
        %dma_wait3A_292 = tpu.memref_slice %arg4[%add3A_285, %dma_wait3A_291] : memref<204800x128xf32, #tpu.memory_space<hbm>> -> memref<128x128xf32, #tpu.memory_space<hbm>>
        %dma_wait3A_293 = arith.constant 0 : i32
        %dma_wait3A_294 = tpu.memref_slice %arg4[%add3A_285, %dma_wait3A_293] : memref<204800x128xf32, #tpu.memory_space<hbm>> -> memref<128x128xf32, #tpu.memory_space<hbm>>
        %dma_wait3A_295 = arith.constant 0 : i32
        %dma_wait3A_296 = arith.constant 0 : i32
        %dma_wait3A_297 = tpu.memref_slice %arg6[%dma_wait3A_286, %dma_wait3A_295, %dma_wait3A_296] : memref<5x128x128xf32, #tpu.memory_space<vmem>> -> memref<1x128x128xf32, #tpu.memory_space<vmem>>
        %dma_wait3A_298 = tpu.memref_squeeze %dma_wait3A_297 : memref<1x128x128xf32, #tpu.memory_space<vmem>> -> memref<128x128xf32, #tpu.memory_space<vmem>>
        tpu.wait_dma2 semaphore(%arg8 : memref<!tpu.dma_semaphore, #tpu.memory_space<semaphore_mem>>) src(%dma_wait3A_298 : memref<128x128xf32, #tpu.memory_space<vmem>>) dst(%dma_wait3A_294 : memref<128x128xf32, #tpu.memory_space<hbm>>)
      } else {
      }
      %add3A_165 = arith.constant 2 : i32
      %add3A_166 = arith.addi %add3A_159, %add3A_165 : i32
      %lt3A_167 = arith.constant 50 : i32
      %lt3A_168 = arith.cmpi slt, %add3A_166, %lt3A_167 : i32
      %convert_element_type3A_169 = arith.extui %lt3A_168 : i1 to i32
      %cond3A_170 = arith.constant 0 : i32
      %cond3A_171 = arith.cmpi ne, %convert_element_type3A_169, %cond3A_170 : i32
      scf.if %cond3A_171 {
        %add3A_282 = arith.constant 2 : i32
        %add3A_283 = arith.addi %add3A_159, %add3A_282 : i32
        %dma_start3A_284 = arith.constant 4 : i32
        %dma_start3A_285 = arith.constant 0 : i32
        %dma_start3A_286 = arith.constant 0 : i32
        %dma_start3A_287 = tpu.memref_slice %arg6[%dma_start3A_284, %dma_start3A_285, %dma_start3A_286] : memref<5x128x128xf32, #tpu.memory_space<vmem>> -> memref<1x128x128xf32, #tpu.memory_space<vmem>>
        %dma_start3A_288 = tpu.memref_squeeze %dma_start3A_287 : memref<1x128x128xf32, #tpu.memory_space<vmem>> -> memref<128x128xf32, #tpu.memory_space<vmem>>
        %dma_start3A_289 = arith.constant 0 : i32
        %dma_start3A_290 = tpu.memref_slice %arg5[%add3A_283, %dma_start3A_289] : memref<50x128xi32, #tpu.memory_space<vmem>> -> memref<1x128xi32, #tpu.memory_space<vmem>>
        %dma_start3A_291 = tpu.memref_squeeze %dma_start3A_290 : memref<1x128xi32, #tpu.memory_space<vmem>> -> memref<128xi32, #tpu.memory_space<vmem>>
        %dma_start3A_292 = arith.constant 0 : i32
        %dma_start3A_293 = arith.constant 0 : i32
        %dma_start3A_294 = tpu.memref_slice %arg3[%dma_start3A_292, %dma_start3A_293] : memref<100000x128xf32, #tpu.memory_space<hbm>> -> memref<100000x128xf32, #tpu.memory_space<hbm>>
        tpu.enqueue_indirect_dma source(%dma_start3A_294 : memref<100000x128xf32, #tpu.memory_space<hbm>>) target(%dma_start3A_288 : memref<128x128xf32, #tpu.memory_space<vmem>>) offsets(%dma_start3A_291 : memref<128xi32, #tpu.memory_space<vmem>>) semaphore(%arg7 : memref<!tpu.dma_semaphore, #tpu.memory_space<semaphore_mem>>)
      } else {
      }
      %dma_wait3A_172 = arith.constant 2 : i32
      %dma_wait3A_173 = arith.constant 0 : i32
      %dma_wait3A_174 = arith.constant 0 : i32
      %dma_wait3A_175 = tpu.memref_slice %arg6[%dma_wait3A_172, %dma_wait3A_173, %dma_wait3A_174] : memref<5x128x128xf32, #tpu.memory_space<vmem>> -> memref<1x128x128xf32, #tpu.memory_space<vmem>>
      %dma_wait3A_176 = tpu.memref_squeeze %dma_wait3A_175 : memref<1x128x128xf32, #tpu.memory_space<vmem>> -> memref<128x128xf32, #tpu.memory_space<vmem>>
      %dma_wait3A_177 = arith.constant 0 : i32
      %dma_wait3A_178 = tpu.memref_slice %arg5[%add3A_159, %dma_wait3A_177] : memref<50x128xi32, #tpu.memory_space<vmem>> -> memref<1x128xi32, #tpu.memory_space<vmem>>
      %dma_wait3A_179 = tpu.memref_squeeze %dma_wait3A_178 : memref<1x128xi32, #tpu.memory_space<vmem>> -> memref<128xi32, #tpu.memory_space<vmem>>
      %dma_wait3A_180 = arith.constant 0 : i32
      %dma_wait3A_181 = arith.constant 0 : i32
      %dma_wait3A_182 = tpu.memref_slice %arg3[%dma_wait3A_180, %dma_wait3A_181] : memref<100000x128xf32, #tpu.memory_space<hbm>> -> memref<100000x128xf32, #tpu.memory_space<hbm>>
      tpu.wait_indirect_dma semaphore(%arg7 : memref<!tpu.dma_semaphore, #tpu.memory_space<semaphore_mem>>) src(%dma_wait3A_182 : memref<100000x128xf32, #tpu.memory_space<hbm>>) dst(%dma_wait3A_176 : memref<128x128xf32, #tpu.memory_space<vmem>>)
      %mul3A_183 = arith.constant 128 : i32
      %mul3A_184 = arith.muli %add3A_159, %mul3A_183 : i32
      %add3A_185 = arith.addi %mul3A_2, %mul3A_184 : i32
      %dma_start3A_186 = arith.constant 2 : i32
      %dma_start3A_187 = arith.constant 0 : i32
      %dma_start3A_188 = arith.constant 0 : i32
      %dma_start3A_189 = tpu.memref_slice %arg6[%dma_start3A_186, %dma_start3A_187, %dma_start3A_188] : memref<5x128x128xf32, #tpu.memory_space<vmem>> -> memref<1x128x128xf32, #tpu.memory_space<vmem>>
      %dma_start3A_190 = tpu.memref_squeeze %dma_start3A_189 : memref<1x128x128xf32, #tpu.memory_space<vmem>> -> memref<128x128xf32, #tpu.memory_space<vmem>>
      %dma_start3A_191 = arith.constant 0 : i32
      %dma_start3A_192 = tpu.memref_slice %arg4[%add3A_185, %dma_start3A_191] : memref<204800x128xf32, #tpu.memory_space<hbm>> -> memref<128x128xf32, #tpu.memory_space<hbm>>
      %dma_start3A_193 = arith.constant 0 : i32
      %dma_start3A_194 = tpu.memref_slice %arg4[%add3A_185, %dma_start3A_193] : memref<204800x128xf32, #tpu.memory_space<hbm>> -> memref<128x128xf32, #tpu.memory_space<hbm>>
      %dma_start3A_195 = arith.constant 0 : i32
      %dma_start3A_196 = arith.constant 0 : i32
      %dma_start3A_197 = tpu.memref_slice %arg6[%dma_start3A_186, %dma_start3A_195, %dma_start3A_196] : memref<5x128x128xf32, #tpu.memory_space<vmem>> -> memref<1x128x128xf32, #tpu.memory_space<vmem>>
      %dma_start3A_198 = tpu.memref_squeeze %dma_start3A_197 : memref<1x128x128xf32, #tpu.memory_space<vmem>> -> memref<128x128xf32, #tpu.memory_space<vmem>>
      tpu.enqueue_dma source(%dma_start3A_198 : memref<128x128xf32, #tpu.memory_space<vmem>>) target(%dma_start3A_194 : memref<128x128xf32, #tpu.memory_space<hbm>>) target_semaphore(%arg8 : memref<!tpu.dma_semaphore, #tpu.memory_space<semaphore_mem>>)
      %add3A_199 = arith.constant 3 : i32
      %add3A_200 = arith.addi %mul3A_79, %add3A_199 : i32
      %ge3A_201 = arith.constant 3 : i32
      %ge3A_202 = arith.cmpi sge, %add3A_200, %ge3A_201 : i32
      %convert_element_type3A_203 = arith.extui %ge3A_202 : i1 to i32
      %cond3A_204 = arith.constant 0 : i32
      %cond3A_205 = arith.cmpi ne, %convert_element_type3A_203, %cond3A_204 : i32
      scf.if %cond3A_205 {
        %sub3A = arith.constant 3 : i32
        %sub3A_282 = arith.subi %add3A_200, %sub3A : i32
        %mul3A_283 = arith.constant 128 : i32
        %mul3A_284 = arith.muli %sub3A_282, %mul3A_283 : i32
        %add3A_285 = arith.addi %mul3A_2, %mul3A_284 : i32
        %dma_wait3A_286 = arith.constant 0 : i32
        %dma_wait3A_287 = arith.constant 0 : i32
        %dma_wait3A_288 = arith.constant 0 : i32
        %dma_wait3A_289 = tpu.memref_slice %arg6[%dma_wait3A_286, %dma_wait3A_287, %dma_wait3A_288] : memref<5x128x128xf32, #tpu.memory_space<vmem>> -> memref<1x128x128xf32, #tpu.memory_space<vmem>>
        %dma_wait3A_290 = tpu.memref_squeeze %dma_wait3A_289 : memref<1x128x128xf32, #tpu.memory_space<vmem>> -> memref<128x128xf32, #tpu.memory_space<vmem>>
        %dma_wait3A_291 = arith.constant 0 : i32
        %dma_wait3A_292 = tpu.memref_slice %arg4[%add3A_285, %dma_wait3A_291] : memref<204800x128xf32, #tpu.memory_space<hbm>> -> memref<128x128xf32, #tpu.memory_space<hbm>>
        %dma_wait3A_293 = arith.constant 0 : i32
        %dma_wait3A_294 = tpu.memref_slice %arg4[%add3A_285, %dma_wait3A_293] : memref<204800x128xf32, #tpu.memory_space<hbm>> -> memref<128x128xf32, #tpu.memory_space<hbm>>
        %dma_wait3A_295 = arith.constant 0 : i32
        %dma_wait3A_296 = arith.constant 0 : i32
        %dma_wait3A_297 = tpu.memref_slice %arg6[%dma_wait3A_286, %dma_wait3A_295, %dma_wait3A_296] : memref<5x128x128xf32, #tpu.memory_space<vmem>> -> memref<1x128x128xf32, #tpu.memory_space<vmem>>
        %dma_wait3A_298 = tpu.memref_squeeze %dma_wait3A_297 : memref<1x128x128xf32, #tpu.memory_space<vmem>> -> memref<128x128xf32, #tpu.memory_space<vmem>>
        tpu.wait_dma2 semaphore(%arg8 : memref<!tpu.dma_semaphore, #tpu.memory_space<semaphore_mem>>) src(%dma_wait3A_298 : memref<128x128xf32, #tpu.memory_space<vmem>>) dst(%dma_wait3A_294 : memref<128x128xf32, #tpu.memory_space<hbm>>)
      } else {
      }
      %add3A_206 = arith.constant 2 : i32
      %add3A_207 = arith.addi %add3A_200, %add3A_206 : i32
      %lt3A_208 = arith.constant 50 : i32
      %lt3A_209 = arith.cmpi slt, %add3A_207, %lt3A_208 : i32
      %convert_element_type3A_210 = arith.extui %lt3A_209 : i1 to i32
      %cond3A_211 = arith.constant 0 : i32
      %cond3A_212 = arith.cmpi ne, %convert_element_type3A_210, %cond3A_211 : i32
      scf.if %cond3A_212 {
        %add3A_282 = arith.constant 2 : i32
        %add3A_283 = arith.addi %add3A_200, %add3A_282 : i32
        %dma_start3A_284 = arith.constant 0 : i32
        %dma_start3A_285 = arith.constant 0 : i32
        %dma_start3A_286 = arith.constant 0 : i32
        %dma_start3A_287 = tpu.memref_slice %arg6[%dma_start3A_284, %dma_start3A_285, %dma_start3A_286] : memref<5x128x128xf32, #tpu.memory_space<vmem>> -> memref<1x128x128xf32, #tpu.memory_space<vmem>>
        %dma_start3A_288 = tpu.memref_squeeze %dma_start3A_287 : memref<1x128x128xf32, #tpu.memory_space<vmem>> -> memref<128x128xf32, #tpu.memory_space<vmem>>
        %dma_start3A_289 = arith.constant 0 : i32
        %dma_start3A_290 = tpu.memref_slice %arg5[%add3A_283, %dma_start3A_289] : memref<50x128xi32, #tpu.memory_space<vmem>> -> memref<1x128xi32, #tpu.memory_space<vmem>>
        %dma_start3A_291 = tpu.memref_squeeze %dma_start3A_290 : memref<1x128xi32, #tpu.memory_space<vmem>> -> memref<128xi32, #tpu.memory_space<vmem>>
        %dma_start3A_292 = arith.constant 0 : i32
        %dma_start3A_293 = arith.constant 0 : i32
        %dma_start3A_294 = tpu.memref_slice %arg3[%dma_start3A_292, %dma_start3A_293] : memref<100000x128xf32, #tpu.memory_space<hbm>> -> memref<100000x128xf32, #tpu.memory_space<hbm>>
        tpu.enqueue_indirect_dma source(%dma_start3A_294 : memref<100000x128xf32, #tpu.memory_space<hbm>>) target(%dma_start3A_288 : memref<128x128xf32, #tpu.memory_space<vmem>>) offsets(%dma_start3A_291 : memref<128xi32, #tpu.memory_space<vmem>>) semaphore(%arg7 : memref<!tpu.dma_semaphore, #tpu.memory_space<semaphore_mem>>)
      } else {
      }
      %dma_wait3A_213 = arith.constant 3 : i32
      %dma_wait3A_214 = arith.constant 0 : i32
      %dma_wait3A_215 = arith.constant 0 : i32
      %dma_wait3A_216 = tpu.memref_slice %arg6[%dma_wait3A_213, %dma_wait3A_214, %dma_wait3A_215] : memref<5x128x128xf32, #tpu.memory_space<vmem>> -> memref<1x128x128xf32, #tpu.memory_space<vmem>>
      %dma_wait3A_217 = tpu.memref_squeeze %dma_wait3A_216 : memref<1x128x128xf32, #tpu.memory_space<vmem>> -> memref<128x128xf32, #tpu.memory_space<vmem>>
      %dma_wait3A_218 = arith.constant 0 : i32
      %dma_wait3A_219 = tpu.memref_slice %arg5[%add3A_200, %dma_wait3A_218] : memref<50x128xi32, #tpu.memory_space<vmem>> -> memref<1x128xi32, #tpu.memory_space<vmem>>
      %dma_wait3A_220 = tpu.memref_squeeze %dma_wait3A_219 : memref<1x128xi32, #tpu.memory_space<vmem>> -> memref<128xi32, #tpu.memory_space<vmem>>
      %dma_wait3A_221 = arith.constant 0 : i32
      %dma_wait3A_222 = arith.constant 0 : i32
      %dma_wait3A_223 = tpu.memref_slice %arg3[%dma_wait3A_221, %dma_wait3A_222] : memref<100000x128xf32, #tpu.memory_space<hbm>> -> memref<100000x128xf32, #tpu.memory_space<hbm>>
      tpu.wait_indirect_dma semaphore(%arg7 : memref<!tpu.dma_semaphore, #tpu.memory_space<semaphore_mem>>) src(%dma_wait3A_223 : memref<100000x128xf32, #tpu.memory_space<hbm>>) dst(%dma_wait3A_217 : memref<128x128xf32, #tpu.memory_space<vmem>>)
      %mul3A_224 = arith.constant 128 : i32
      %mul3A_225 = arith.muli %add3A_200, %mul3A_224 : i32
      %add3A_226 = arith.addi %mul3A_2, %mul3A_225 : i32
      %dma_start3A_227 = arith.constant 3 : i32
      %dma_start3A_228 = arith.constant 0 : i32
      %dma_start3A_229 = arith.constant 0 : i32
      %dma_start3A_230 = tpu.memref_slice %arg6[%dma_start3A_227, %dma_start3A_228, %dma_start3A_229] : memref<5x128x128xf32, #tpu.memory_space<vmem>> -> memref<1x128x128xf32, #tpu.memory_space<vmem>>
      %dma_start3A_231 = tpu.memref_squeeze %dma_start3A_230 : memref<1x128x128xf32, #tpu.memory_space<vmem>> -> memref<128x128xf32, #tpu.memory_space<vmem>>
      %dma_start3A_232 = arith.constant 0 : i32
      %dma_start3A_233 = tpu.memref_slice %arg4[%add3A_226, %dma_start3A_232] : memref<204800x128xf32, #tpu.memory_space<hbm>> -> memref<128x128xf32, #tpu.memory_space<hbm>>
      %dma_start3A_234 = arith.constant 0 : i32
      %dma_start3A_235 = tpu.memref_slice %arg4[%add3A_226, %dma_start3A_234] : memref<204800x128xf32, #tpu.memory_space<hbm>> -> memref<128x128xf32, #tpu.memory_space<hbm>>
      %dma_start3A_236 = arith.constant 0 : i32
      %dma_start3A_237 = arith.constant 0 : i32
      %dma_start3A_238 = tpu.memref_slice %arg6[%dma_start3A_227, %dma_start3A_236, %dma_start3A_237] : memref<5x128x128xf32, #tpu.memory_space<vmem>> -> memref<1x128x128xf32, #tpu.memory_space<vmem>>
      %dma_start3A_239 = tpu.memref_squeeze %dma_start3A_238 : memref<1x128x128xf32, #tpu.memory_space<vmem>> -> memref<128x128xf32, #tpu.memory_space<vmem>>
      tpu.enqueue_dma source(%dma_start3A_239 : memref<128x128xf32, #tpu.memory_space<vmem>>) target(%dma_start3A_235 : memref<128x128xf32, #tpu.memory_space<hbm>>) target_semaphore(%arg8 : memref<!tpu.dma_semaphore, #tpu.memory_space<semaphore_mem>>)
      %add3A_240 = arith.constant 4 : i32
      %add3A_241 = arith.addi %mul3A_79, %add3A_240 : i32
      %ge3A_242 = arith.constant 3 : i32
      %ge3A_243 = arith.cmpi sge, %add3A_241, %ge3A_242 : i32
      %convert_element_type3A_244 = arith.extui %ge3A_243 : i1 to i32
      %cond3A_245 = arith.constant 0 : i32
      %cond3A_246 = arith.cmpi ne, %convert_element_type3A_244, %cond3A_245 : i32
      scf.if %cond3A_246 {
        %sub3A = arith.constant 3 : i32
        %sub3A_282 = arith.subi %add3A_241, %sub3A : i32
        %mul3A_283 = arith.constant 128 : i32
        %mul3A_284 = arith.muli %sub3A_282, %mul3A_283 : i32
        %add3A_285 = arith.addi %mul3A_2, %mul3A_284 : i32
        %dma_wait3A_286 = arith.constant 1 : i32
        %dma_wait3A_287 = arith.constant 0 : i32
        %dma_wait3A_288 = arith.constant 0 : i32
        %dma_wait3A_289 = tpu.memref_slice %arg6[%dma_wait3A_286, %dma_wait3A_287, %dma_wait3A_288] : memref<5x128x128xf32, #tpu.memory_space<vmem>> -> memref<1x128x128xf32, #tpu.memory_space<vmem>>
        %dma_wait3A_290 = tpu.memref_squeeze %dma_wait3A_289 : memref<1x128x128xf32, #tpu.memory_space<vmem>> -> memref<128x128xf32, #tpu.memory_space<vmem>>
        %dma_wait3A_291 = arith.constant 0 : i32
        %dma_wait3A_292 = tpu.memref_slice %arg4[%add3A_285, %dma_wait3A_291] : memref<204800x128xf32, #tpu.memory_space<hbm>> -> memref<128x128xf32, #tpu.memory_space<hbm>>
        %dma_wait3A_293 = arith.constant 0 : i32
        %dma_wait3A_294 = tpu.memref_slice %arg4[%add3A_285, %dma_wait3A_293] : memref<204800x128xf32, #tpu.memory_space<hbm>> -> memref<128x128xf32, #tpu.memory_space<hbm>>
        %dma_wait3A_295 = arith.constant 0 : i32
        %dma_wait3A_296 = arith.constant 0 : i32
        %dma_wait3A_297 = tpu.memref_slice %arg6[%dma_wait3A_286, %dma_wait3A_295, %dma_wait3A_296] : memref<5x128x128xf32, #tpu.memory_space<vmem>> -> memref<1x128x128xf32, #tpu.memory_space<vmem>>
        %dma_wait3A_298 = tpu.memref_squeeze %dma_wait3A_297 : memref<1x128x128xf32, #tpu.memory_space<vmem>> -> memref<128x128xf32, #tpu.memory_space<vmem>>
        tpu.wait_dma2 semaphore(%arg8 : memref<!tpu.dma_semaphore, #tpu.memory_space<semaphore_mem>>) src(%dma_wait3A_298 : memref<128x128xf32, #tpu.memory_space<vmem>>) dst(%dma_wait3A_294 : memref<128x128xf32, #tpu.memory_space<hbm>>)
      } else {
      }
      %add3A_247 = arith.constant 2 : i32
      %add3A_248 = arith.addi %add3A_241, %add3A_247 : i32
      %lt3A_249 = arith.constant 50 : i32
      %lt3A_250 = arith.cmpi slt, %add3A_248, %lt3A_249 : i32
      %convert_element_type3A_251 = arith.extui %lt3A_250 : i1 to i32
      %cond3A_252 = arith.constant 0 : i32
      %cond3A_253 = arith.cmpi ne, %convert_element_type3A_251, %cond3A_252 : i32
      scf.if %cond3A_253 {
        %add3A_282 = arith.constant 2 : i32
        %add3A_283 = arith.addi %add3A_241, %add3A_282 : i32
        %dma_start3A_284 = arith.constant 1 : i32
        %dma_start3A_285 = arith.constant 0 : i32
        %dma_start3A_286 = arith.constant 0 : i32
        %dma_start3A_287 = tpu.memref_slice %arg6[%dma_start3A_284, %dma_start3A_285, %dma_start3A_286] : memref<5x128x128xf32, #tpu.memory_space<vmem>> -> memref<1x128x128xf32, #tpu.memory_space<vmem>>
        %dma_start3A_288 = tpu.memref_squeeze %dma_start3A_287 : memref<1x128x128xf32, #tpu.memory_space<vmem>> -> memref<128x128xf32, #tpu.memory_space<vmem>>
        %dma_start3A_289 = arith.constant 0 : i32
        %dma_start3A_290 = tpu.memref_slice %arg5[%add3A_283, %dma_start3A_289] : memref<50x128xi32, #tpu.memory_space<vmem>> -> memref<1x128xi32, #tpu.memory_space<vmem>>
        %dma_start3A_291 = tpu.memref_squeeze %dma_start3A_290 : memref<1x128xi32, #tpu.memory_space<vmem>> -> memref<128xi32, #tpu.memory_space<vmem>>
        %dma_start3A_292 = arith.constant 0 : i32
        %dma_start3A_293 = arith.constant 0 : i32
        %dma_start3A_294 = tpu.memref_slice %arg3[%dma_start3A_292, %dma_start3A_293] : memref<100000x128xf32, #tpu.memory_space<hbm>> -> memref<100000x128xf32, #tpu.memory_space<hbm>>
        tpu.enqueue_indirect_dma source(%dma_start3A_294 : memref<100000x128xf32, #tpu.memory_space<hbm>>) target(%dma_start3A_288 : memref<128x128xf32, #tpu.memory_space<vmem>>) offsets(%dma_start3A_291 : memref<128xi32, #tpu.memory_space<vmem>>) semaphore(%arg7 : memref<!tpu.dma_semaphore, #tpu.memory_space<semaphore_mem>>)
      } else {
      }
      %dma_wait3A_254 = arith.constant 4 : i32
      %dma_wait3A_255 = arith.constant 0 : i32
      %dma_wait3A_256 = arith.constant 0 : i32
      %dma_wait3A_257 = tpu.memref_slice %arg6[%dma_wait3A_254, %dma_wait3A_255, %dma_wait3A_256] : memref<5x128x128xf32, #tpu.memory_space<vmem>> -> memref<1x128x128xf32, #tpu.memory_space<vmem>>
      %dma_wait3A_258 = tpu.memref_squeeze %dma_wait3A_257 : memref<1x128x128xf32, #tpu.memory_space<vmem>> -> memref<128x128xf32, #tpu.memory_space<vmem>>
      %dma_wait3A_259 = arith.constant 0 : i32
      %dma_wait3A_260 = tpu.memref_slice %arg5[%add3A_241, %dma_wait3A_259] : memref<50x128xi32, #tpu.memory_space<vmem>> -> memref<1x128xi32, #tpu.memory_space<vmem>>
      %dma_wait3A_261 = tpu.memref_squeeze %dma_wait3A_260 : memref<1x128xi32, #tpu.memory_space<vmem>> -> memref<128xi32, #tpu.memory_space<vmem>>
      %dma_wait3A_262 = arith.constant 0 : i32
      %dma_wait3A_263 = arith.constant 0 : i32
      %dma_wait3A_264 = tpu.memref_slice %arg3[%dma_wait3A_262, %dma_wait3A_263] : memref<100000x128xf32, #tpu.memory_space<hbm>> -> memref<100000x128xf32, #tpu.memory_space<hbm>>
      tpu.wait_indirect_dma semaphore(%arg7 : memref<!tpu.dma_semaphore, #tpu.memory_space<semaphore_mem>>) src(%dma_wait3A_264 : memref<100000x128xf32, #tpu.memory_space<hbm>>) dst(%dma_wait3A_258 : memref<128x128xf32, #tpu.memory_space<vmem>>)
      %mul3A_265 = arith.constant 128 : i32
      %mul3A_266 = arith.muli %add3A_241, %mul3A_265 : i32
      %add3A_267 = arith.addi %mul3A_2, %mul3A_266 : i32
      %dma_start3A_268 = arith.constant 4 : i32
      %dma_start3A_269 = arith.constant 0 : i32
      %dma_start3A_270 = arith.constant 0 : i32
      %dma_start3A_271 = tpu.memref_slice %arg6[%dma_start3A_268, %dma_start3A_269, %dma_start3A_270] : memref<5x128x128xf32, #tpu.memory_space<vmem>> -> memref<1x128x128xf32, #tpu.memory_space<vmem>>
      %dma_start3A_272 = tpu.memref_squeeze %dma_start3A_271 : memref<1x128x128xf32, #tpu.memory_space<vmem>> -> memref<128x128xf32, #tpu.memory_space<vmem>>
      %dma_start3A_273 = arith.constant 0 : i32
      %dma_start3A_274 = tpu.memref_slice %arg4[%add3A_267, %dma_start3A_273] : memref<204800x128xf32, #tpu.memory_space<hbm>> -> memref<128x128xf32, #tpu.memory_space<hbm>>
      %dma_start3A_275 = arith.constant 0 : i32
      %dma_start3A_276 = tpu.memref_slice %arg4[%add3A_267, %dma_start3A_275] : memref<204800x128xf32, #tpu.memory_space<hbm>> -> memref<128x128xf32, #tpu.memory_space<hbm>>
      %dma_start3A_277 = arith.constant 0 : i32
      %dma_start3A_278 = arith.constant 0 : i32
      %dma_start3A_279 = tpu.memref_slice %arg6[%dma_start3A_268, %dma_start3A_277, %dma_start3A_278] : memref<5x128x128xf32, #tpu.memory_space<vmem>> -> memref<1x128x128xf32, #tpu.memory_space<vmem>>
      %dma_start3A_280 = tpu.memref_squeeze %dma_start3A_279 : memref<1x128x128xf32, #tpu.memory_space<vmem>> -> memref<128x128xf32, #tpu.memory_space<vmem>>
      tpu.enqueue_dma source(%dma_start3A_280 : memref<128x128xf32, #tpu.memory_space<vmem>>) target(%dma_start3A_276 : memref<128x128xf32, #tpu.memory_space<hbm>>) target_semaphore(%arg8 : memref<!tpu.dma_semaphore, #tpu.memory_space<semaphore_mem>>)
      %scan3A_281 = arith.constant 0 : i32
      scf.yield %scan3A_281 : i32
    }
    %scan3A_31 = arith.constant 10 : i32
    %add3A_32 = arith.constant 6016 : i32
    %add3A_33 = arith.addi %mul3A_2, %add3A_32 : i32
    %dma_wait3A = arith.constant 2 : i32
    %dma_wait3A_34 = arith.constant 0 : i32
    %dma_wait3A_35 = arith.constant 0 : i32
    %dma_wait3A_36 = tpu.memref_slice %arg6[%dma_wait3A, %dma_wait3A_34, %dma_wait3A_35] : memref<5x128x128xf32, #tpu.memory_space<vmem>> -> memref<1x128x128xf32, #tpu.memory_space<vmem>>
    %dma_wait3A_37 = tpu.memref_squeeze %dma_wait3A_36 : memref<1x128x128xf32, #tpu.memory_space<vmem>> -> memref<128x128xf32, #tpu.memory_space<vmem>>
    %dma_wait3A_38 = arith.constant 0 : i32
    %dma_wait3A_39 = tpu.memref_slice %arg4[%add3A_33, %dma_wait3A_38] : memref<204800x128xf32, #tpu.memory_space<hbm>> -> memref<128x128xf32, #tpu.memory_space<hbm>>
    %dma_wait3A_40 = arith.constant 0 : i32
    %dma_wait3A_41 = tpu.memref_slice %arg4[%add3A_33, %dma_wait3A_40] : memref<204800x128xf32, #tpu.memory_space<hbm>> -> memref<128x128xf32, #tpu.memory_space<hbm>>
    %dma_wait3A_42 = arith.constant 0 : i32
    %dma_wait3A_43 = arith.constant 0 : i32
    %dma_wait3A_44 = tpu.memref_slice %arg6[%dma_wait3A, %dma_wait3A_42, %dma_wait3A_43] : memref<5x128x128xf32, #tpu.memory_space<vmem>> -> memref<1x128x128xf32, #tpu.memory_space<vmem>>
    %dma_wait3A_45 = tpu.memref_squeeze %dma_wait3A_44 : memref<1x128x128xf32, #tpu.memory_space<vmem>> -> memref<128x128xf32, #tpu.memory_space<vmem>>
    tpu.wait_dma2 semaphore(%arg8 : memref<!tpu.dma_semaphore, #tpu.memory_space<semaphore_mem>>) src(%dma_wait3A_45 : memref<128x128xf32, #tpu.memory_space<vmem>>) dst(%dma_wait3A_41 : memref<128x128xf32, #tpu.memory_space<hbm>>)
    %add3A_46 = arith.constant 6144 : i32
    %add3A_47 = arith.addi %mul3A_2, %add3A_46 : i32
    %dma_wait3A_48 = arith.constant 3 : i32
    %dma_wait3A_49 = arith.constant 0 : i32
    %dma_wait3A_50 = arith.constant 0 : i32
    %dma_wait3A_51 = tpu.memref_slice %arg6[%dma_wait3A_48, %dma_wait3A_49, %dma_wait3A_50] : memref<5x128x128xf32, #tpu.memory_space<vmem>> -> memref<1x128x128xf32, #tpu.memory_space<vmem>>
    %dma_wait3A_52 = tpu.memref_squeeze %dma_wait3A_51 : memref<1x128x128xf32, #tpu.memory_space<vmem>> -> memref<128x128xf32, #tpu.memory_space<vmem>>
    %dma_wait3A_53 = arith.constant 0 : i32
    %dma_wait3A_54 = tpu.memref_slice %arg4[%add3A_47, %dma_wait3A_53] : memref<204800x128xf32, #tpu.memory_space<hbm>> -> memref<128x128xf32, #tpu.memory_space<hbm>>
    %dma_wait3A_55 = arith.constant 0 : i32
    %dma_wait3A_56 = tpu.memref_slice %arg4[%add3A_47, %dma_wait3A_55] : memref<204800x128xf32, #tpu.memory_space<hbm>> -> memref<128x128xf32, #tpu.memory_space<hbm>>
    %dma_wait3A_57 = arith.constant 0 : i32
    %dma_wait3A_58 = arith.constant 0 : i32
    %dma_wait3A_59 = tpu.memref_slice %arg6[%dma_wait3A_48, %dma_wait3A_57, %dma_wait3A_58] : memref<5x128x128xf32, #tpu.memory_space<vmem>> -> memref<1x128x128xf32, #tpu.memory_space<vmem>>
    %dma_wait3A_60 = tpu.memref_squeeze %dma_wait3A_59 : memref<1x128x128xf32, #tpu.memory_space<vmem>> -> memref<128x128xf32, #tpu.memory_space<vmem>>
    tpu.wait_dma2 semaphore(%arg8 : memref<!tpu.dma_semaphore, #tpu.memory_space<semaphore_mem>>) src(%dma_wait3A_60 : memref<128x128xf32, #tpu.memory_space<vmem>>) dst(%dma_wait3A_56 : memref<128x128xf32, #tpu.memory_space<hbm>>)
    %add3A_61 = arith.constant 6272 : i32
    %add3A_62 = arith.addi %mul3A_2, %add3A_61 : i32
    %dma_wait3A_63 = arith.constant 4 : i32
    %dma_wait3A_64 = arith.constant 0 : i32
    %dma_wait3A_65 = arith.constant 0 : i32
    %dma_wait3A_66 = tpu.memref_slice %arg6[%dma_wait3A_63, %dma_wait3A_64, %dma_wait3A_65] : memref<5x128x128xf32, #tpu.memory_space<vmem>> -> memref<1x128x128xf32, #tpu.memory_space<vmem>>
    %dma_wait3A_67 = tpu.memref_squeeze %dma_wait3A_66 : memref<1x128x128xf32, #tpu.memory_space<vmem>> -> memref<128x128xf32, #tpu.memory_space<vmem>>
    %dma_wait3A_68 = arith.constant 0 : i32
    %dma_wait3A_69 = tpu.memref_slice %arg4[%add3A_62, %dma_wait3A_68] : memref<204800x128xf32, #tpu.memory_space<hbm>> -> memref<128x128xf32, #tpu.memory_space<hbm>>
    %dma_wait3A_70 = arith.constant 0 : i32
    %dma_wait3A_71 = tpu.memref_slice %arg4[%add3A_62, %dma_wait3A_70] : memref<204800x128xf32, #tpu.memory_space<hbm>> -> memref<128x128xf32, #tpu.memory_space<hbm>>
    %dma_wait3A_72 = arith.constant 0 : i32
    %dma_wait3A_73 = arith.constant 0 : i32
    %dma_wait3A_74 = tpu.memref_slice %arg6[%dma_wait3A_63, %dma_wait3A_72, %dma_wait3A_73] : memref<5x128x128xf32, #tpu.memory_space<vmem>> -> memref<1x128x128xf32, #tpu.memory_space<vmem>>
    %dma_wait3A_75 = tpu.memref_squeeze %dma_wait3A_74 : memref<1x128x128xf32, #tpu.memory_space<vmem>> -> memref<128x128xf32, #tpu.memory_space<vmem>>
    tpu.wait_dma2 semaphore(%arg8 : memref<!tpu.dma_semaphore, #tpu.memory_space<semaphore_mem>>) src(%dma_wait3A_75 : memref<128x128xf32, #tpu.memory_space<vmem>>) dst(%dma_wait3A_71 : memref<128x128xf32, #tpu.memory_space<hbm>>)
    return
  }
}

</mosaic_0001>

<sc_bundles>
// kernel: _gather_rows.3.cloned.1.call-start
scs
__scs_entry_jumppad:
0x0: {  	(pc) =	sbr.rel $0x88, $3  }
0x1: {  	(tag) =	ssettag $0x0;
	lr =	simm.s32 $0x1  }
0x2: {  	[smem:$0x3F9F] =	sst lr;
	_ =	strace $0xD0000000  }
0x3: {  	_ = 	snop  }
0x4: {  	_ = 	snop  }
0x5: {  	_ = 	snop  }
0x6: {  	_ = 	snop  }
0x7: {  	_ = 	snop  }
__scs_overlays_trampoline_lowered:
0x8: {  	[smem:$0x3FAE] =	sst s0  }
0x9: {  	[smem:$0x3FAF] =	sst s1  }
0xa: {  	[smem:$0x3FB0] =	sst s2  }
0xb: {  	[smem:$0x3FB1] =	sst s3  }
0xc: {  	[smem:$0x3FB2] =	sst s4  }
0xd: {  	[smem:$0x3FB3] =	sst s5  }
0xe: {  	[smem:$0x3FB4] =	sst s6  }
0xf: {  	[smem:$0x3FB5] =	sst s7  }
0x10: {  	[smem:$0x3FB6] =	sst s8  }
0x11: {  	[smem:$0x3FB7] =	sst s9;
	s0 =	simm.s32 @!p0 $0x0  }
0x12: {  	s1 =	sld [smem:$0x3F9D];
	s0 =	simm.s32 @p0 $0x1  }
0x13: {  	[smem:$0x3FB8] =	sst s0;
	s0 =	simm.s32 @!p1 $0x0  }
0x14: {  	s2 =	sld [smem:$0x3F9C];
	s0 =	simm.s32 @p1 $0x1  }
0x15: {  	[smem:$0x3FB9] =	sst s0;
	s0 =	simm.s32 @!p2 $0x0  }
0x16: {  	s3 =	sld [smem:$0x3FDB];
	s0 =	simm.s32 @p2 $0x1  }
0x17: {  	s4 =	simm.s32 $0x1BF5;
	[smem:$0x3FBB] =	sst s0  }
0x18: {  	s0 =	sld [smem:$0x3F9E];
	_ =	swait.ge [sflag:s4], $0x0  }
0x19: {  	s7 =	sld [smem:$0x3F9F]  }
0x1a: {  	s8 =	sadd.s32 $0xFFFFE003, lr  }
0x1b: {  	s9 =	sadd.s32 $0xFFFFFEF7, lr;
	s5 =	simm.s32 $0xFFFFFFFF;
	p2 =	slt.u32 s8, $0xFFFFF086  }
0x1c: {  	p1 =	slt.u32 s9, $0xF7A;
	s5 =	simm.s32 @!p2 $0x0  }
0x1d: {  	s5 =	simm.s32 @p1 $0x1;
	p0 =	seq.s32 s7, s2  }
0x1e: {  	s7 =	smul.u32 @!p0 $0xF7A, s2;
	p2 =	seq.s32 @!p0 s5, $0x0  }
0x1f: {  	s9 =	smul.u32 $0xF7A, s1;
	s8 =	simm.s32 @!p0 $0x1BF5;
	p2 =	por !p2, p0  }
0x20: {  	[sflag:s8] =	ssyncset.s32 @!p0 $0xFFFFF086;
	s6 =	sadd.s32 @!p0 s3, s7;
	s7 =	simm.s32 @!p0 $0x108  }
0x21: {  	s3 =	sadd.s32 s3, s9;
	s6 =	sadd.s32 @!p0 $0x88, s6;
	s7 =	simm.s32 @p2 $0x1082  }
0x22: {  	[simem:s7], [sflag:s8] =	dma.local @!p0 [hbm:s6], $0xF7A  }
0x23: {  	s9 =	sor.u32 $0xD0000000, s2;
	s6 =	simm.s32 $0x108;
	_ =	swait.ge @!p0 [sflag:s8], $0x0  }
0x24: {  	s3 =	sadd.s32 $0x88, s3;
	s6 =	simm.s32 @!p1 $0x1082;
	[sflag:s4] =	ssyncset.s32 $0xFFFFF086  }
0x25: {  	[simem:s6], [sflag:s4] =	dma.local [hbm:s3], $0xF7A  }
0x26: {  	[smem:$0x3F9F] =	sst s1;
	(tag) =	ssettag s2;
	_ =	strace s9  }
0x27: {  	s1 =	sld [smem:$0x3FAF]  }
0x28: {  	s2 =	sld [smem:$0x3FB0]  }
0x29: {  	s4 =	sld [smem:$0x3FB2]  }
0x2a: {  	p0 =	seq.s32 s5, $0x0;
	s5 =	sld [smem:$0x3FB3]  }
0x2b: {  	s6 =	sld [smem:$0x3FB4]  }
0x2c: {  	s7 =	sld [smem:$0x3FB5]  }
0x2d: {  	s3 =	simm.s32 $0x108;
	s8 =	sld [smem:$0x3FB6]  }
0x2e: {  	s3 =	simm.s32 @!p0 $0x1082;
	s9 =	sld [smem:$0x3FB7]  }
0x2f: {  	lr =	sadd.s32 s0, s3;
	s0 =	sld [smem:$0x3FAE]  }
0x30: {  	s3 =	sld [smem:$0x3FB1]  }
0x31: {  	[smem:$0x3FBA] =	sst s10  }
0x32: {  	s10 =	sld [smem:$0x3FB8];
	_ =	sdelay $0x3  }
0x33: {  	p0 =	seq.s32 s10, $0x1;
	s10 =	sld [smem:$0x3FBA];
	_ =	sdelay $0x3  }
0x34: {  	[smem:$0x3FBA] =	sst s10  }
0x35: {  	s10 =	sld [smem:$0x3FB9];
	_ =	sdelay $0x3  }
0x36: {  	p1 =	seq.s32 s10, $0x1;
	s10 =	sld [smem:$0x3FBA];
	_ =	sdelay $0x3  }
0x37: {  	[smem:$0x3FBA] =	sst s10  }
0x38: {  	s10 =	sld [smem:$0x3FBB]  }
0x39: {  	_ = 	snop;
	(pc) =	sbr.ind lr, $3  }
0x3a: {  	_ = 	snop  }
0x3b: {  	_ = 	snop  }
0x3c: {  	p2 =	seq.s32 s10, $0x1;
	s10 =	sld [smem:$0x3FBA]  }
0x3d: {  	_ =	shalt  }
0x3e: {  	_ =	shalt  }
0x3f: {  	_ =	shalt  }
0x40: {  	_ =	shalt  }
0x41: {  	_ =	shalt  }
0x42: {  	_ =	shalt  }
0x43: {  	_ =	shalt  }
0x44: {  	_ =	shalt  }
0x45: {  	_ =	shalt  }
0x46: {  	_ =	shalt  }
0x47: {  	_ =	shalt  }
0x48: {  	_ =	shalt  }
0x49: {  	_ =	shalt  }
0x4a: {  	_ =	shalt  }
0x4b: {  	_ =	shalt  }
0x4c: {  	_ =	shalt  }
0x4d: {  	_ =	shalt  }
0x4e: {  	_ =	shalt  }
0x4f: {  	_ =	shalt  }
0x50: {  	_ =	shalt  }
0x51: {  	_ =	shalt  }
0x52: {  	_ =	shalt  }
0x53: {  	_ =	shalt  }
0x54: {  	_ =	shalt  }
0x55: {  	_ =	shalt  }
0x56: {  	_ =	shalt  }
0x57: {  	_ =	shalt  }
0x58: {  	_ =	shalt  }
0x59: {  	_ =	shalt  }
0x5a: {  	_ =	shalt  }
0x5b: {  	_ =	shalt  }
0x5c: {  	_ =	shalt  }
0x5d: {  	_ =	shalt  }
0x5e: {  	_ =	shalt  }
0x5f: {  	_ =	shalt  }
0x60: {  	_ =	shalt  }
0x61: {  	_ =	shalt  }
0x62: {  	_ =	shalt  }
0x63: {  	_ =	shalt  }
0x64: {  	_ =	shalt  }
0x65: {  	_ =	shalt  }
0x66: {  	_ =	shalt  }
0x67: {  	_ =	shalt  }
0x68: {  	_ =	shalt  }
0x69: {  	_ =	shalt  }
0x6a: {  	_ =	shalt  }
0x6b: {  	_ =	shalt  }
0x6c: {  	_ =	shalt  }
0x6d: {  	_ =	shalt  }
0x6e: {  	_ =	shalt  }
0x6f: {  	_ =	shalt  }
0x70: {  	_ =	shalt  }
0x71: {  	_ =	shalt  }
0x72: {  	_ =	shalt  }
0x73: {  	_ =	shalt  }
0x74: {  	_ =	shalt  }
0x75: {  	_ =	shalt  }
0x76: {  	_ =	shalt  }
0x77: {  	_ =	shalt  }
0x78: {  	_ =	shalt  }
0x79: {  	_ =	shalt  }
0x7a: {  	_ =	shalt  }
0x7b: {  	_ =	shalt  }
0x7c: {  	_ =	shalt  }
0x7d: {  	_ =	shalt  }
0x7e: {  	_ =	shalt  }
0x7f: {  	_ =	shalt  }
0x80: {  	_ =	shalt  }
0x81: {  	_ =	shalt  }
0x82: {  	_ =	shalt  }
0x83: {  	_ =	shalt  }
0x84: {  	_ =	shalt  }
0x85: {  	_ =	shalt  }
0x86: {  	_ =	shalt  }
0x87: {  	_ =	shalt  }
.Lfunc_end0:
.L_simem_size_0:
called_computation_lowered:
.L_overlay_start_0:
0x88: {  	s2 =	sld [smem:$0x3FD9]  }
0x89: {  	s3 =	sld [smem:$0x3FFE];
	_ =	sdelay $0x1  }
0x8a: {  	s1 =	srdreg.scid  }
0x8b: {  	s0 =	sand.u32 $0x1, s1  }
0x8c: {  	s17 =	sshll.u32 s0, $0xA;
	s2 =	sadd.s32 s3, s2  }
0x8d: {  	s2 =	sadd.s32 s2, s17  }
0x8e: {  	[smem:$0x3FC6] =	sst s2  }
0x8f: {  	_ = 	snop  }
0x90: {  	s2 =	sld [smem:$0x3FC8]  }
0x91: {  	s18 =	sld [smem:$0x3FD0];
	(tm) =	ssettm $0x1  }
0x92: {  	s4 =	sld [smem:$0x3FFB];
	_ =	sdelay $0x3  }
0x93: {  	_ =	strace s4  }
0x94: {  	s4 =	sld [smem:$0x3FFC];
	_ =	sdelay $0x3  }
0x95: {  	_ =	strace s4  }
0x96: {  	s4 =	sld [smem:$0x3FFD];
	_ =	sdelay $0x3  }
0x97: {  	_ =	strace s4  }
0x98: {  	_ =	strace $0x8FFFFFFF  }
0x99: {  	s19 =	sld [smem:$0x3FDB];
	_ =	sdelay $0x1  }
0x9a: {  	s5 =	simm.s32 $_scs_section_size  }
0x9b: {  	s6 =	simm.s32 $_size__tile_overlayer_lowered;
	s7 =	simm.s32 $_tile_overlayer_lowered  }
0x9c: {  	s22 =	simm.s32 $0x1BFF;
	s21 =	sshll.u32 s7, $0x1;
	s4 =	sadd.s32 s5, s19  }
0x9d: {  	s8 =	simm.s32 $0x0;
	s20 =	sshll.u32 s6, $0x1;
	s6 =	sadd.s32 s21, s4  }
0x9e: {  	[timem:s8], [sflag:s22] =	dma.local [hbm:s6], s20  }
0x9f: {  	_ =	swait.ge [sflag:s22], s20  }
0xa0: {  	s5 =	ssub.s32 $0x0, s20;
	[sflag:s22] =	ssyncset.done $0x0  }
0xa1: {  	[sflag:s22] =	ssyncadd.s32 s5;
	_ =	sdelay $0x1  }
0xa2: {  	s23 =	simm.s32 $0x1B8B  }
0xa3: {  	_ =	swait.ge [sflag:s23], $0x1  }
0xa4: {  	[sflag:s23] =	ssyncset.done $0x0  }
0xa5: {  	s25 =	simm.s32 $0x1B8E;
	s24 =	sld [smem:$0x3FFE];
	[sflag:s23] =	ssyncadd.s32 $0xFFFFFFFF  }
0xa6: {  	s26 =	simm.s32 $execute0_lowered;
	[smem:$0x3FD2] =	sst s25  }
0xa7: {  	s6 =	sshll.u32 s26, $0x1;
	_ =	strace $0x80000046;
	[dreg:$0x1] =	wrdreg $0xFFFFFFFF  }
0xa8: {  	s28 =	simm.s32 $_size_execute0_lowered;
	s4 =	sadd.s32 s4, s6;
	[dreg:$0x0] =	wrdreg $0x0  }
0xa9: {  	s6 =	sshll.u32 s28, $0x1;
	[dreg:$0x2] =	wrdreg s4  }
0xaa: {  	[dreg:$0x3] =	wrdreg s6  }
0xab: {  	[dreg:$0x4] =	wrdreg $0xC0  }
0xac: {  	_ =	task [dreg:s8], $0x5FFFF  }
0xad: {  	[dreg:$0x1] =	wrdreg $0xFFFFFFFF  }
0xae: {  	[dreg:$0x0] =	wrdreg $0x60  }
0xaf: {  	[dreg:$0x2] =	wrdreg s24  }
0xb0: {  	[dreg:$0x3] =	wrdreg s2  }
0xb1: {  	[dreg:$0x4] =	wrdreg s18  }
0xb2: {  	[dreg:$0x5] =	wrdreg $0x9  }
0xb3: {  	_ =	task.clear_ibuf [dreg:s8], $0x6FFFF;
	_ =	strace $0x90000046  }
0xb4: {  	s29 =	simm.s32 $0x9;
	_ =	strace $0x80000048  }
0xb5: {  	_ =	swait.ge [sflag:s29], $0x1  }
0xb6: {  	[sflag:s29] =	ssyncadd.s32 $0xFFFFFFFF  }
0xb7: {  	_ =	strace $0x90000048  }
0xb8: {  	_ =	sfence  }
0xb9: {  	s30 =	sld [smem:$0x0];
	_ =	sdelay $0x2  }
0xba: {  	s31 =	sshll.u32 s1, $0xD;
	s1 =	sshrl.u32 s1, $0x2  }
0xbb: {  	s3 =	sand.u32 $0x4000, s31;
	s1 =	sadd.s32 s1, s30  }
0xbc: {  	s0 =	sor.u32 s3, s0;
	s1 =	sshll.u32 s1, $0x11  }
0xbd: {  	s0 =	sor.u32 s1, s0  }
0xbe: {  	s0 =	sadd.s32 $0x8F2B, s0  }
0xbf: {  	[sflag:s0] =	ssyncadd.remote.s32 $0x1  }
0xc0: {  	_ =	sfence.sel $0xFFFF  }
0xc1: {  	[dreg:$0x0] =	wrdreg $0xFFFFFFFF;
	(pc) =	sbr.abs _section_cstart, $3  }
0xc2: {  	[dreg:$0x1] =	wrdreg $0xFFFFFFFF  }
0xc3: {  	_ =	task.clear_ibuf [dreg:s8], $0x2FFFF;
	_ =	strace $0x9FFFFFFF  }
0xc4: {  	(tm) =	ssettm $0x7FFFFFFF  }
0xc5: {  	_ =	shalt  }
tec
execute0_lowered:
.L_overlay_start_1:
0x0: {  	(tag) =	ssettag $0x1  }
0x1: {  	s4 =	rddreg [dreg:$0x0]  }
0x2: {  	s1 =	srdreg.scid;
	s2 =	rddreg [dreg:$0x1]  }
0x3: {  	s0 =	stileid.u32;
	s10 =	rddreg [dreg:$0x2]  }
0x4: {  	s3 =	simm.s32 $0x0;
	s13 =	simm.s32 $0x1C00;
	s14 =	simm.s32 $0x5C00  }
0x5: {  	s15 =	simm.s32 $0x9C00;
	s16 =	simm.s32 $0x1;
	s17 =	simm.s32 $0xDC00  }
0x6: {  	s18 =	simm.s32 $0x11C00;
	s19 =	simm.s32 $0x2;
	s7 =	smul.u32 $0x190000, s0  }
0x7: {  	s5 =	sand.u32 $0x1, s1;
	s23 =	sshll.u32 s0, $0x1;
	s25 =	smul.u32 $0x32000, s0  }
0x8: {  	s20 =	simm.s32 $0x0;
	s1 =	sor.u32 s5, s23;
	s9 =	smul.u32 $0xC8000, s5  }
0x9: {  	[smem:$0x7FF] =	sst s3;
	s8 =	ssub.s32 $0x2, s5;
	s6 =	smul.u32 $0x380, s1  }
0xa: {  	_ =	strace $0x80000047;
	s26 =	smul.u32 $0x19000, s5;
	s24 =	sshrl.u32 s8, $0x1  }
0xb: {  	s28 =	sadd.s32 s25, s10;
	s9 =	sadd.s32 s9, s7;
	s4 =	sadd.s32 s6, s4  }
0xc: {  	s6 =	ssub.s32 s8, s24;
	s11 =	sadd.s32 $0x10000, s9;
	s30 =	sadd.s32 $0xC000, s9  }
0xd: {  	s31 =	sadd.s32 $0x8000, s9;
	s9 =	sor.u32 $0x4000, s9;
	s4 =	sadd.s32 $0x400, s4  }
0xe: {  	s5 =	smax.u32 s6, $0x1;
	s29 =	sshrl.u32 s11, $0x3;
	s6 =	sadd.s32 s26, s28  }
0xf: {  	s8 =	sshrl.u32 s30, $0x3;
	s11 =	sshrl.u32 s31, $0x3;
	s12 =	sshrl.u32 s9, $0x3  }
0x10: {  	s7 =	sadd.s32 s29, s10;
	s8 =	sadd.s32 s8, s10;
	s9 =	sadd.s32 s11, s10  }
0x11: {  	s10 =	sadd.s32 s12, s10;
	s11 =	simm.s32 $0x3;
	s12 =	simm.s32 $0x80  }
.LBB2_1:
0x12: {  	[tilespmem:s3], [sflag:$0x3] =	stream.linear.gather [hbm4b:s4+s3], $0x1900, $0x38;
	[tilespmem:$0x15C00] =	vst v63  }
0x13: {  	_ =	swait.ge [sflag:s11], $0x1900  }
0x14: {  	[sflag:s11] =	ssyncset.done $0x0  }
0x15: {  	p0 =	por $0x1, $0x1;
	[sflag:s11] =	ssyncadd.s32 $0xFFFFE700  }
0x16: {  	[tilespmem:s13], [sflag:$0x1] =	stream.indirect.gather [hbm4b:s2+s12], $0x80, s3, s12, $0xb8;
	[tilespmem:$0x15C00] =	vst v63  }
0x17: {  	s21 =	simm.s32 @!p0 $0x2  }
0x18: {  	[tilespmem:s14], [sflag:$0x1] =	stream.indirect.gather [hbm4b:s2+s12], $0x80, s12, s12, $0xb8;
	[tilespmem:$0x15C00] =	vst v63  }
0x19: {  	_ =	swait.ge @!p0 [sflag:s21], $0x4000  }
0x1a: {  	[sflag:s21] =	ssyncset.done @!p0 $0x0  }
0x1b: {  	s22 =	simm.s32 $0x100;
	[sflag:s21] =	ssyncadd.s32 @!p0 $0xFFFFC000  }
0x1c: {  	[tilespmem:s15], [sflag:$0x1] =	stream.indirect.gather [hbm4b:s2+s12], $0x80, s22, s12, $0xb8;
	[tilespmem:$0x15C00] =	vst v63  }
0x1d: {  	_ =	swait.ge [sflag:s16], $0x4000  }
0x1e: {  	[sflag:s16] =	ssyncset.done $0x0  }
0x1f: {  	[sflag:s16] =	ssyncadd.s32 $0xFFFFC000  }
0x20: {  	[hbm4b:s6+s3] =	stream.linear.scatter [tilespmem:s13], [sflag:$0x2], $0x4000, $0x38;
	[tilespmem:$0x15C00] =	vst v63  }
0x21: {  	_ =	swait.ge @!p0 [sflag:s21], $0x4000  }
0x22: {  	[sflag:s21] =	ssyncset.done @!p0 $0x0  }
0x23: {  	s30 =	simm.s32 $0x180;
	[sflag:s21] =	ssyncadd.s32 @!p0 $0xFFFFC000  }
0x24: {  	[tilespmem:s17], [sflag:$0x1] =	stream.indirect.gather [hbm4b:s2+s12], $0x80, s30, s12, $0xb8;
	[tilespmem:$0x15C00] =	vst v63  }
0x25: {  	_ =	swait.ge [sflag:s16], $0x4000  }
0x26: {  	[sflag:s16] =	ssyncset.done $0x0  }
0x27: {  	[sflag:s16] =	ssyncadd.s32 $0xFFFFC000  }
0x28: {  	[hbm4b:s10+s3] =	stream.linear.scatter [tilespmem:s14], [sflag:$0x2], $0x4000, $0x38;
	[tilespmem:$0x15C00] =	vst v63  }
0x29: {  	_ =	swait.ge @!p0 [sflag:s21], $0x4000  }
0x2a: {  	[sflag:s21] =	ssyncset.done @!p0 $0x0  }
0x2b: {  	s31 =	simm.s32 $0x200;
	[sflag:s21] =	ssyncadd.s32 @!p0 $0xFFFFC000  }
0x2c: {  	[tilespmem:s18], [sflag:$0x1] =	stream.indirect.gather [hbm4b:s2+s12], $0x80, s31, s12, $0xb8;
	[tilespmem:$0x15C00] =	vst v63  }
0x2d: {  	_ =	swait.ge [sflag:s16], $0x4000  }
0x2e: {  	[sflag:s16] =	ssyncset.done $0x0  }
0x2f: {  	[sflag:s16] =	ssyncadd.s32 $0xFFFFC000  }
0x30: {  	[hbm4b:s9+s3] =	stream.linear.scatter [tilespmem:s15], [sflag:$0x2], $0x4000, $0x38;
	[tilespmem:$0x15C00] =	vst v63  }
0x31: {  	p0 =	por $0x0, $0x0;
	_ =	swait.ge [sflag:s19], $0x4000  }
0x32: {  	s21 =	simm.s32 @!p0 $0x1C00;
	[sflag:s19] =	ssyncset.done $0x0  }
0x33: {  	s22 =	simm.s32 @!p0 $0x280;
	s28 =	simm.s32 @!p0 $0x80;
	[sflag:s19] =	ssyncadd.s32 $0xFFFFC000  }
0x34: {  	[tilespmem:s21], [sflag:$0x1] =	stream.indirect.gather @!p0 [hbm4b:s2+s28], $0x80, s22, s28, $0xb8;
	[tilespmem:$0x15C00] =	vst v63  }
0x35: {  	_ =	swait.ge [sflag:s16], $0x4000  }
0x36: {  	[sflag:s16] =	ssyncset.done $0x0  }
0x37: {  	s23 =	simm.s32 $0xA00;
	[sflag:s16] =	ssyncadd.s32 $0xFFFFC000  }
0x38: {  	[hbm4b:s8+s3] =	stream.linear.scatter [tilespmem:s17], [sflag:$0x2], $0x4000, $0x38;
	[tilespmem:$0x15C00] =	vst v63  }
0x39: {  	s26 =	simm.s32 $0x1400;
	s25 =	sadd.s32 $0x2800, s10;
	_ =	swait.ge [sflag:s19], $0x4000  }
0x3a: {  	s24 =	sadd.s32 $0x2800, s9;
	p1 =	por $0x0, $0x0;
	[sflag:s19] =	ssyncset.done $0x0  }
0x3b: {  	s21 =	simm.s32 @!p0 $0x300;
	s22 =	simm.s32 @!p0 $0x5C00;
	[sflag:s19] =	ssyncadd.s32 $0xFFFFC000  }
0x3c: {  	[tilespmem:s22], [sflag:$0x1] =	stream.indirect.gather @!p0 [hbm4b:s2+s28], $0x80, s21, s28, $0xb8;
	[tilespmem:$0x15C00] =	vst v63  }
0x3d: {  	s29 =	smov.u32 s7;
	s21 =	sadd.s32 $0x2800, s7;
	_ =	swait.ge [sflag:s16], $0x4000  }
0x3e: {  	s22 =	sadd.s32 $0x2800, s8;
	s28 =	sadd.s32 $0x2800, s6;
	[sflag:s16] =	ssyncset.done $0x0  }
.LBB2_2:
0x3f: {  	s31 =	simm.s32 @!p1 $0x2  }
0x40: {  	[sflag:s16] =	ssyncadd.s32 $0xFFFFC000;
	s30 =	smov.u32 s26;
	s26 =	sadd.s32 $0xA00, s26  }
0x41: {  	[hbm4b:s29+s3] =	stream.linear.scatter [tilespmem:s18], [sflag:$0x2], $0x4000, $0x38;
	[tilespmem:$0x15C00] =	vst v63  }
0x42: {  	p0 =	sne.s32 s26, $0x6400;
	s29 =	smov.u32 s21;
	_ =	swait.ge @!p1 [sflag:s31], $0x4000  }
0x43: {  	s1 =	sshra.s32 s23, $0x2;
	[sflag:s31] =	ssyncset.done @!p1 $0x0  }
0x44: {  	s0 =	sadd.s32 $0x100, s1;
	[sflag:s31] =	ssyncadd.s32 @!p1 $0xFFFFC000  }
0x45: {  	[tilespmem:s15], [sflag:$0x1] =	stream.indirect.gather [hbm4b:s2+s12], $0x80, s0, s12, $0xb8;
	[tilespmem:$0x15C00] =	vst v63  }
0x46: {  	_ =	swait.ge [sflag:s16], $0x4000  }
0x47: {  	[sflag:s16] =	ssyncset.done $0x0  }
0x48: {  	[sflag:s16] =	ssyncadd.s32 $0xFFFFC000  }
0x49: {  	[hbm4b:s28+s3] =	stream.linear.scatter [tilespmem:s13], [sflag:$0x2], $0x4000, $0x38;
	[tilespmem:$0x15C00] =	vst v63  }
0x4a: {  	_ =	swait.ge @!p1 [sflag:s31], $0x4000  }
0x4b: {  	[sflag:s31] =	ssyncset.done @!p1 $0x0  }
0x4c: {  	s0 =	sadd.s32 $0x180, s1;
	[sflag:s31] =	ssyncadd.s32 @!p1 $0xFFFFC000  }
0x4d: {  	[tilespmem:s17], [sflag:$0x1] =	stream.indirect.gather [hbm4b:s2+s12], $0x80, s0, s12, $0xb8;
	[tilespmem:$0x15C00] =	vst v63  }
0x4e: {  	_ =	swait.ge [sflag:s16], $0x4000  }
0x4f: {  	[sflag:s16] =	ssyncset.done $0x0  }
0x50: {  	[sflag:s16] =	ssyncadd.s32 $0xFFFFC000  }
0x51: {  	[hbm4b:s25+s3] =	stream.linear.scatter [tilespmem:s14], [sflag:$0x2], $0x4000, $0x38;
	[tilespmem:$0x15C00] =	vst v63  }
0x52: {  	_ =	swait.ge @!p1 [sflag:s31], $0x4000  }
0x53: {  	[sflag:s31] =	ssyncset.done @!p1 $0x0  }
0x54: {  	s0 =	sadd.s32 $0x200, s1;
	[sflag:s31] =	ssyncadd.s32 @!p1 $0xFFFFC000  }
0x55: {  	[tilespmem:s18], [sflag:$0x1] =	stream.indirect.gather [hbm4b:s2+s12], $0x80, s0, s12, $0xb8;
	[tilespmem:$0x15C00] =	vst v63  }
0x56: {  	_ =	swait.ge [sflag:s16], $0x4000  }
0x57: {  	[sflag:s16] =	ssyncset.done $0x0  }
0x58: {  	[sflag:s16] =	ssyncadd.s32 $0xFFFFC000  }
0x59: {  	[hbm4b:s24+s3] =	stream.linear.scatter [tilespmem:s15], [sflag:$0x2], $0x4000, $0x38;
	[tilespmem:$0x15C00] =	vst v63  }
0x5a: {  	p1 =	seq.s32 s23, $0x5A00;
	_ =	swait.ge [sflag:s19], $0x4000  }
0x5b: {  	s0 =	sshra.s32 @!p1 s23, $0x2;
	s1 =	simm.s32 @!p1 $0x1C00;
	[sflag:s19] =	ssyncset.done $0x0  }
0x5c: {  	s31 =	simm.s32 @!p1 $0x80;
	s23 =	sadd.s32 @!p1 $0x280, s0;
	[sflag:s19] =	ssyncadd.s32 $0xFFFFC000  }
0x5d: {  	[tilespmem:s1], [sflag:$0x1] =	stream.indirect.gather @!p1 [hbm4b:s2+s31], $0x80, s23, s31, $0xb8;
	[tilespmem:$0x15C00] =	vst v63  }
0x5e: {  	s0 =	sadd.s32 @!p1 $0x300, s0;
	s23 =	smov.u32 s30;
	_ =	swait.ge [sflag:s16], $0x4000  }
0x5f: {  	[sflag:s16] =	ssyncset.done $0x0  }
0x60: {  	[sflag:s16] =	ssyncadd.s32 $0xFFFFC000  }
0x61: {  	[hbm4b:s22+s3] =	stream.linear.scatter [tilespmem:s17], [sflag:$0x2], $0x4000, $0x38;
	[tilespmem:$0x15C00] =	vst v63  }
0x62: {  	_ =	swait.ge [sflag:s19], $0x4000  }
.Ltmp0:
0x63: {  	s25 =	sadd.s32 $0x2800, s25;
	[sflag:s19] =	ssyncset.done $0x0;
	(pc) =	sbr.rel @p0 .LBB2_2-.Ltmp0, $4  }
0x64: {  	s24 =	sadd.s32 $0x2800, s24;
	s1 =	simm.s32 @!p1 $0x5C00;
	[sflag:s19] =	ssyncadd.s32 $0xFFFFC000  }
0x65: {  	[tilespmem:s1], [sflag:$0x1] =	stream.indirect.gather @!p1 [hbm4b:s2+s31], $0x80, s0, s31, $0xb8;
	[tilespmem:$0x15C00] =	vst v63  }
0x66: {  	s21 =	sadd.s32 $0x2800, s21;
	s22 =	sadd.s32 $0x2800, s22;
	_ =	swait.ge [sflag:s16], $0x4000  }
0x67: {  	s28 =	sadd.s32 $0x2800, s28;
	p1 =	seq.s32 s23, $0x0;
	[sflag:s16] =	ssyncset.done $0x0  }
0x68: {  	s0 =	simm.s32 @!p1 $0x2;
	[sflag:s16] =	ssyncadd.s32 $0xFFFFC000  }
0x69: {  	[hbm4b:s29+s3] =	stream.linear.scatter [tilespmem:s18], [sflag:$0x2], $0x4000, $0x38;
	[tilespmem:$0x15C00] =	vst v63  }
0x6a: {  	_ =	swait.ge @!p1 [sflag:s0], $0x4000  }
0x6b: {  	s1 =	sshra.s32 s23, $0x2;
	[sflag:s0] =	ssyncset.done @!p1 $0x0  }
0x6c: {  	s26 =	sadd.s32 $0x100, s1;
	[sflag:s0] =	ssyncadd.s32 @!p1 $0xFFFFC000  }
0x6d: {  	[tilespmem:s15], [sflag:$0x1] =	stream.indirect.gather [hbm4b:s2+s12], $0x80, s26, s12, $0xb8;
	[tilespmem:$0x15C00] =	vst v63  }
0x6e: {  	_ =	swait.ge [sflag:s16], $0x4000  }
0x6f: {  	[sflag:s16] =	ssyncset.done $0x0  }
0x70: {  	[sflag:s16] =	ssyncadd.s32 $0xFFFFC000  }
0x71: {  	[hbm4b:s28+s3] =	stream.linear.scatter [tilespmem:s13], [sflag:$0x2], $0x4000, $0x38;
	[tilespmem:$0x15C00] =	vst v63  }
0x72: {  	_ =	swait.ge @!p1 [sflag:s0], $0x4000  }
0x73: {  	[sflag:s0] =	ssyncset.done @!p1 $0x0  }
0x74: {  	s30 =	sadd.s32 $0x180, s1;
	[sflag:s0] =	ssyncadd.s32 @!p1 $0xFFFFC000  }
0x75: {  	[tilespmem:s17], [sflag:$0x1] =	stream.indirect.gather [hbm4b:s2+s12], $0x80, s30, s12, $0xb8;
	[tilespmem:$0x15C00] =	vst v63  }
0x76: {  	_ =	swait.ge [sflag:s16], $0x4000  }
0x77: {  	[sflag:s16] =	ssyncset.done $0x0  }
0x78: {  	[sflag:s16] =	ssyncadd.s32 $0xFFFFC000  }
0x79: {  	[hbm4b:s25+s3] =	stream.linear.scatter [tilespmem:s14], [sflag:$0x2], $0x4000, $0x38;
	[tilespmem:$0x15C00] =	vst v63  }
0x7a: {  	_ =	swait.ge @!p1 [sflag:s0], $0x4000  }
0x7b: {  	[sflag:s0] =	ssyncset.done @!p1 $0x0  }
0x7c: {  	s31 =	sadd.s32 $0x200, s1;
	[sflag:s0] =	ssyncadd.s32 @!p1 $0xFFFFC000  }
0x7d: {  	[tilespmem:s18], [sflag:$0x1] =	stream.indirect.gather [hbm4b:s2+s12], $0x80, s31, s12, $0xb8;
	[tilespmem:$0x15C00] =	vst v63  }
0x7e: {  	_ =	swait.ge [sflag:s16], $0x4000  }
0x7f: {  	[sflag:s16] =	ssyncset.done $0x0  }
0x80: {  	[sflag:s16] =	ssyncadd.s32 $0xFFFFC000  }
0x81: {  	[hbm4b:s24+s3] =	stream.linear.scatter [tilespmem:s15], [sflag:$0x2], $0x4000, $0x38;
	[tilespmem:$0x15C00] =	vst v63  }
0x82: {  	p0 =	seq.s32 s23, $0x5A00;
	_ =	swait.ge [sflag:s19], $0x4000  }
0x83: {  	s1 =	simm.s32 @!p0 $0x1C00;
	s0 =	sshra.s32 @!p0 s23, $0x2;
	[sflag:s19] =	ssyncset.done $0x0  }
0x84: {  	s23 =	sadd.s32 @!p0 $0x280, s0;
	s24 =	simm.s32 @!p0 $0x80;
	[sflag:s19] =	ssyncadd.s32 $0xFFFFC000  }
0x85: {  	[tilespmem:s1], [sflag:$0x1] =	stream.indirect.gather @!p0 [hbm4b:s2+s24], $0x80, s23, s24, $0xb8;
	[tilespmem:$0x15C00] =	vst v63  }
0x86: {  	_ =	swait.ge [sflag:s16], $0x4000  }
0x87: {  	[sflag:s16] =	ssyncset.done $0x0  }
0x88: {  	[sflag:s16] =	ssyncadd.s32 $0xFFFFC000  }
0x89: {  	[hbm4b:s22+s3] =	stream.linear.scatter [tilespmem:s17], [sflag:$0x2], $0x4000, $0x38;
	[tilespmem:$0x15C00] =	vst v63  }
0x8a: {  	_ =	swait.ge [sflag:s19], $0x4000  }
0x8b: {  	[sflag:s19] =	ssyncset.done $0x0  }
0x8c: {  	s0 =	sadd.s32 @!p0 $0x300, s0;
	s1 =	simm.s32 @!p0 $0x5C00;
	[sflag:s19] =	ssyncadd.s32 $0xFFFFC000  }
0x8d: {  	[tilespmem:s1], [sflag:$0x1] =	stream.indirect.gather @!p0 [hbm4b:s2+s24], $0x80, s0, s24, $0xb8;
	[tilespmem:$0x15C00] =	vst v63  }
0x8e: {  	_ =	swait.ge [sflag:s16], $0x4000  }
0x8f: {  	[sflag:s16] =	ssyncset.done $0x0  }
0x90: {  	[sflag:s16] =	ssyncadd.s32 $0xFFFFC000  }
0x91: {  	[hbm4b:s21+s3] =	stream.linear.scatter [tilespmem:s18], [sflag:$0x2], $0x4000, $0x38;
	[tilespmem:$0x15C00] =	vst v63  }
0x92: {  	_ =	swait.ge [sflag:s19], $0x4000  }
0x93: {  	[sflag:s19] =	ssyncset.done $0x0  }
0x94: {  	s20 =	sadd.s32 $0x1, s20;
	[sflag:s19] =	ssyncadd.s32 $0xFFFFC000  }
0x95: {  	p0 =	sne.s32 s20, s5;
	_ =	swait.ge [sflag:s19], $0x4000  }
.Ltmp1:
0x96: {  	[sflag:s19] =	ssyncset.done $0x0;
	(pc) =	sbr.rel @p0 .LBB2_1-.Ltmp1, $4  }
0x97: {  	[sflag:s19] =	ssyncadd.s32 $0xFFFFC000  }
0x98: {  	_ =	swait.ge [sflag:s19], $0x4000  }
0x99: {  	[sflag:s19] =	ssyncset.done $0x0  }
0x9a: {  	[sflag:s19] =	ssyncadd.s32 $0xFFFFC000  }
0x9b: {  	_ =	sfence.sel $0x180000  }
0x9c: {  	[bflag:$0x0] =	sbarrier.arrive $0xFFFF  }
0x9d: {  	_ =	strace $0x90000047  }
0x9e: {  	s0 =	stileid.u32;
	[bflag:$0x2] =	sbarrier.arrive $0xFFFF  }
0x9f: {  	p0 =	sne.s32 s0, $0x0;
	s0 =	rddreg [dreg:$0x3]  }
0xa0: {  	s0 =	sadd.s32 @!p0 $0x100000, s0  }
0xa1: {  	[sflag:s0] =	ssyncadd.tile.s32 @!p0 $0x1;
	_ =	shalt  }
.Lfunc_end2:
_tile_overlayer_lowered:
.L_overlay_start_2:
0xa2: {  	(tag) =	ssettag $0x2  }
0xa3: {  	s0 =	rddreg [dreg:$0x0];
	s2 =	stileid.u32  }
0xa4: {  	s1 =	rddreg [dreg:$0x1];
	p0 =	sne.s32 s2, $0x0  }
0xa5: {  	s3 =	rddreg [dreg:$0x2];
	[bflag:$0x3] =	sbarrier.arrive $0xFFFF;
	s2 =	simm.s32 @!p0 $0x1C03  }
0xa6: {  	[timem:s3], [sflag:s2] =	dma.local @!p0 [hbm:s0], s1  }
0xa7: {  	s0 =	simm.s32 @!p0 $0x3  }
0xa8: {  	_ =	swait.ge @!p0 [sflag:s0], s1  }
0xa9: {  	s1 =	ssub.s32 @!p0 $0x0, s1;
	[sflag:s0] =	ssyncset.done @!p0 $0x0  }
0xaa: {  	[sflag:s0] =	ssyncadd.s32 @!p0 s1  }
0xab: {  	[bflag:$0x3] =	sbarrier.arrive $0xFFFF  }
0xac: {  	_ =	shalt  }

</sc_bundles>
